<compile_context>
chip_gen: v7x
topology: tpu7x:2x2x1
jax: 0.10.2.dev20260603
libtpu: 0.0.44.dev20260713+nightly
codegen_flags: <defaults>
</compile_context>

<pallas_src>
import functools

import jax
import jax.numpy as jnp
from jax import lax
from jax.experimental import pallas as pl
from jax.experimental.pallas import tpu as pltpu
from jax.experimental.pallas import tpu_sc as plsc

N0, N1, N2 = 100000, 25000, 6250
D = 128
HALF = 64
K = 200
ZK = 200
NS = 16
EPS = 1e-5


def _make_scatter(n_in, n_out):
    n_chunks = n_in // K
    assert n_in % K == 0
    nf = n_out // K
    rem = n_out - nf * K
    nzf = n_out // ZK
    zrem = n_out - nzf * ZK
    nmax = -(-n_chunks // NS)
    nmaxz = -(-nzf // NS)
    nmaxw = -(-nf // NS)
    mesh = plsc.VectorSubcoreMesh(core_axis_name="c", subcore_axis_name="s")

    @functools.partial(
        pl.kernel,
        mesh=mesh,
        out_type=jax.ShapeDtypeStruct((n_out, D), jnp.float32),
        scratch_types=[
            pltpu.VMEM((K, HALF), jnp.float32),
            pltpu.VMEM((K, HALF), jnp.float32),
            pltpu.VMEM((K,), jnp.int32),
            pltpu.VMEM((K,), jnp.int32),
            pltpu.VMEM_SHARED((n_out, HALF), jnp.float32),
            pltpu.SemaphoreType.DMA,
            pltpu.SemaphoreType.DMA,
            pltpu.SemaphoreType.DMA,
        ],
        compiler_params=pltpu.CompilerParams(use_tc_tiling_on_sc=False),
    )
    def scat(feats, parent, out, buf0, buf1, idx0, idx1, acc,
             sem0, sem1, semz):
        c = lax.axis_index("c")
        s = lax.axis_index("s")
        col0 = c * HALF
        bufs, idxs, sems = (buf0, buf1), (idx0, idx1), (sem0, sem1)

        def loads(j, b):
            chunk = s + j * NS

            @pl.when(chunk < n_chunks)
            def _():
                r0 = chunk * K
                pltpu.make_async_copy(
                    parent.at[pl.ds(r0, K)], idxs[b], sems[b]).start()
                pltpu.make_async_copy(
                    feats.at[pl.ds(r0, K), pl.ds(col0, HALF)], bufs[b],
                    sems[b]).start()

        def wait_scatter(j, b):
            chunk = s + j * NS

            @pl.when(chunk < n_chunks)
            def _():
                r0 = chunk * K
                pltpu.make_async_copy(
                    parent.at[pl.ds(r0, K)], idxs[b], sems[b]).wait()
                pltpu.make_async_copy(
                    feats.at[pl.ds(r0, K), pl.ds(col0, HALF)], bufs[b],
                    sems[b]).wait()
                pltpu.sync_copy(bufs[b], acc.at[idxs[b]], add=True)

        zsrc = buf0.at[pl.ds(0, ZK)]
        zv = jnp.zeros((16,), jnp.float32)

        def zstore(i, _):
            for j4 in range(HALF // 16):
                buf0[i, pl.ds(j4 * 16, 16)] = zv
            return 0

        lax.fori_loop(0, ZK, zstore, 0)

        def zfire(j, _):
            chunk = s + j * NS

            @pl.when(chunk < nzf)
            def _():
                pltpu.make_async_copy(
                    zsrc, acc.at[pl.ds(chunk * ZK, ZK)], semz).start()
            return 0

        def zdrain(j, _):
            chunk = s + j * NS

            @pl.when(chunk < nzf)
            def _():
                pltpu.make_async_copy(
                    zsrc, acc.at[pl.ds(chunk * ZK, ZK)], semz).wait()
            return 0

        lax.fori_loop(0, nmaxz, zfire, 0)
        if zrem:
            @pl.when(s == NS - 1)
            def _():
                pltpu.make_async_copy(
                    buf0.at[pl.ds(0, zrem)], acc.at[pl.ds(nzf * ZK, zrem)],
                    semz).start()
        lax.fori_loop(0, nmaxz, zdrain, 0)
        if zrem:
            @pl.when(s == NS - 1)
            def _():
                pltpu.make_async_copy(
                    buf0.at[pl.ds(0, zrem)], acc.at[pl.ds(nzf * ZK, zrem)],
                    semz).wait()

        loads(0, 0)
        loads(1, 1)
        plsc.subcore_barrier()

        def pair(i, _):
            wait_scatter(2 * i, 0)
            loads(2 * i + 2, 0)
            wait_scatter(2 * i + 1, 1)
            loads(2 * i + 3, 1)
            return 0

        lax.fori_loop(0, -(-nmax // 2), pair, 0)
        plsc.subcore_barrier()

        def wdst(chunk):
            return out.at[pl.ds(chunk * K, K), pl.ds(col0, HALF)]

        def wout(j, b):
            chunk = s + j * NS

            @pl.when(chunk < nf)
            def _():
                @pl.when(j >= 2)
                def _():
                    pltpu.make_async_copy(bufs[b], wdst(chunk - 2 * NS),
                                          sems[b]).wait()
                pltpu.sync_copy(acc.at[pl.ds(chunk * K, K)], bufs[b])
                pltpu.make_async_copy(bufs[b], wdst(chunk), sems[b]).start()

        def wpair(i, _):
            wout(2 * i, 0)
            wout(2 * i + 1, 1)
            return 0

        lax.fori_loop(0, -(-nmaxw // 2), wpair, 0)
        jl = (nf - 1 - s) // NS
        for b in (0, 1):
            jb = jl - ((jl - b) & 1)

            @pl.when(jb >= 0)
            def _():
                pltpu.make_async_copy(bufs[b], wdst(s + jb * NS),
                                      sems[b]).wait()
        if rem:
            @pl.when(s == NS - 1)
            def _():
                pltpu.sync_copy(acc.at[pl.ds(nf * K, rem)],
                                buf0.at[pl.ds(0, rem)])
                pltpu.sync_copy(buf0.at[pl.ds(0, rem)],
                                out.at[pl.ds(nf * K, rem), pl.ds(col0, HALF)])

    return scat


_scatter1 = _make_scatter(N0, N1)
_scatter2 = _make_scatter(N1, N2)


def _dense_body(x_ref, wa_ref, ba_ref, gi_ref, bi_ref, wb_ref, bb_ref,
                go_ref, bo_ref, *rest):
    has_head = len(rest) == 3
    x = x_ref[...]
    y = jnp.dot(x, wa_ref[...], preferred_element_type=jnp.float32) + ba_ref[...]
    m = jnp.mean(y, axis=0, keepdims=True)
    v = jnp.mean((y - m) * (y - m), axis=0, keepdims=True)
    h = jnp.maximum((y - m) * lax.rsqrt(v + EPS) * gi_ref[...] + bi_ref[...], 0.0)
    z = jnp.dot(h, wb_ref[...], preferred_element_type=jnp.float32) + bb_ref[...]
    m2 = jnp.mean(z, axis=0, keepdims=True)
    v2 = jnp.mean((z - m2) * (z - m2), axis=0, keepdims=True)
    h2 = jnp.maximum((z - m2) * lax.rsqrt(v2 + EPS) * go_ref[...] + bo_ref[...], 0.0)
    if has_head:
        wp_ref, bp_ref, out_ref = rest
        out_ref[...] = (jnp.dot(h2, wp_ref[...], preferred_element_type=jnp.float32)
                        + bp_ref[...])
    else:
        out_ref, = rest
        out_ref[...] = h2


def _dense(x, wa, ba, gi, bi, wb, bb, go, bo):
    return pl.pallas_call(
        _dense_body,
        out_shape=jax.ShapeDtypeStruct(x.shape, jnp.float32),
    )(x, wa, ba, gi, bi, wb, bb, go, bo)


def _dense_head(x, wa, ba, gi, bi, wb, bb, go, bo, wp, bp):
    return pl.pallas_call(
        _dense_body,
        out_shape=jax.ShapeDtypeStruct((x.shape[0], wp.shape[1]), jnp.float32),
    )(x, wa, ba, gi, bi, wb, bb, go, bo, wp, bp)


def kernel(node_features, parent1, parent2,
           W1a, b1a, g1i, be1i, W1b, b1b, g1o, be1o,
           W2a, b2a, g2i, be2i, W2b, b2b, g2o, be2o,
           Wp, bp):
    p1 = parent1.astype(jnp.int32)
    p2 = parent2.astype(jnp.int32)
    r = lambda a: a.reshape(1, -1)
    pooled1 = _scatter1(node_features, p1)
    h1 = _dense(pooled1, W1a, r(b1a), r(g1i), r(be1i), W1b, r(b1b), r(g1o), r(be1o))
    pooled2 = _scatter2(h1, p2)
    return _dense_head(pooled2, W2a, r(b2a), r(g2i), r(be2i), W2b, r(b2b),
                       r(g2o), r(be2o), Wp, r(bp))

# --- scband reference (transcript-rebuilt; emitter-appended) ---
"""Pipeline reference for scband-tree-cnn-76965813944832 (READ-ONLY COPY).

The authoritative reference and input builder live on the scoring server;
editing this copy changes nothing except your own understanding.
"""

import jax, jax.numpy as jnp
import numpy as np

N0, N1, N2 = 100000, 25000, 6250
DIN, DH, DOUT = 128, 128, 16
EPS = 1e-5

def _bn(x, g, b):
    m = jnp.mean(x, axis=0)
    v = jnp.var(x, axis=0)
    return (x - m) / jnp.sqrt(v + EPS) * g + b

def setup_inputs(seed: int = 0) -> dict:
    key = jax.random.key(seed)
    ks = jax.random.split(key, 12)
    inp = {}
    inp['node_features'] = jax.random.normal(ks[0], (N0, DIN), dtype=jnp.float32)
    inp['parent1'] = jax.random.randint(ks[1], (N0,), 0, N1, dtype=jnp.int64) if jax.config.jax_enable_x64 else jax.random.randint(ks[1], (N0,), 0, N1, dtype=jnp.int32)
    inp['parent2'] = jax.random.randint(ks[2], (N1,), 0, N2, dtype=jnp.int32)
    # layer 1 MLP (2 linear layers, GIN-style inner BN) + outer BN
    inp['W1a'] = jax.random.normal(ks[3], (DIN, DH), dtype=jnp.float32) * 0.05
    inp['b1a'] = jnp.zeros((DH,), jnp.float32)
    inp['g1i'] = jnp.ones((DH,), jnp.float32)
    inp['be1i'] = jnp.zeros((DH,), jnp.float32)
    inp['W1b'] = jax.random.normal(ks[4], (DH, DH), dtype=jnp.float32) * 0.05
    inp['b1b'] = jnp.zeros((DH,), jnp.float32)
    inp['g1o'] = jnp.ones((DH,), jnp.float32)
    inp['be1o'] = jnp.zeros((DH,), jnp.float32)
    # layer 2 MLP + outer BN
    inp['W2a'] = jax.random.normal(ks[5], (DH, DH), dtype=jnp.float32) * 0.05
    inp['b2a'] = jnp.zeros((DH,), jnp.float32)
    inp['g2i'] = jnp.ones((DH,), jnp.float32)
    inp['be2i'] = jnp.zeros((DH,), jnp.float32)
    inp['W2b'] = jax.random.normal(ks[6], (DH, DH), dtype=jnp.float32) * 0.05
    inp['b2b'] = jnp.zeros((DH,), jnp.float32)
    inp['g2o'] = jnp.ones((DH,), jnp.float32)
    inp['be2o'] = jnp.zeros((DH,), jnp.float32)
    # root prediction head
    inp['Wp'] = jax.random.normal(ks[7], (DH, DOUT), dtype=jnp.float32) * 0.05
    inp['bp'] = jnp.zeros((DOUT,), jnp.float32)
    return inp

def _tree_layer(h, parent, n_out, Wa, ba, gi, bi, Wb, bb, go, bo):
    # sparse Adj spmm == scatter-add of child features into parents (tree: 1 parent per child)
    pooled = jnp.zeros((n_out, h.shape[1]), h.dtype).at[parent].add(h)
    h1 = jax.nn.relu(_bn(pooled @ Wa + ba, gi, bi))
    h2 = h1 @ Wb + bb
    return jax.nn.relu(_bn(h2, go, bo))

def reference(node_features, parent1, parent2,
              W1a, b1a, g1i, be1i, W1b, b1b, g1o, be1o,
              W2a, b2a, g2i, be2i, W2b, b2b, g2o, be2o,
              Wp, bp):
    h = node_features
    h = _tree_layer(h, parent1, N1, W1a, b1a, g1i, be1i, W1b, b1b, g1o, be1o)
    h = _tree_layer(h, parent2, N2, W2a, b2a, g2i, be2i, W2b, b2b, g2o, be2o)
    # tree_pooling_type == 'root': prediction on top-layer node reps; dropout is identity in eval
    return h @ Wp + bp

if __name__ == "__main__":
    import jax
    _d = setup_inputs()
    print(jax.jit(kernel)(*tuple(_d.values())))

</pallas_src>

<mosaic_0001>
#map = affine_map<(d0, d1) -> (0, 0)>
#map1 = affine_map<(d0, d1) -> (0)>
module attributes {stable_mosaic.version = 14 : i64} {
  func.func @scat(%arg0: i32, %arg1: i32, %arg2: memref<25000x128xf32, #tpu.memory_space<hbm>>, %arg3: memref<25000xi32, #tpu.memory_space<hbm>>, %arg4: memref<6250x128xf32, #tpu.memory_space<hbm>>, %arg5: memref<200x64xf32, #tpu.memory_space<vmem>>, %arg6: memref<200x64xf32, #tpu.memory_space<vmem>>, %arg7: memref<200xi32, #tpu.memory_space<vmem>>, %arg8: memref<200xi32, #tpu.memory_space<vmem>>, %arg9: memref<6250x64xf32, #tpu.memory_space<vmem_shared>>, %arg10: memref<!tpu.dma_semaphore, #tpu.memory_space<semaphore_mem>>, %arg11: memref<!tpu.dma_semaphore, #tpu.memory_space<semaphore_mem>>, %arg12: memref<!tpu.dma_semaphore, #tpu.memory_space<semaphore_mem>>) attributes {dimension_semantics = [#tpu.dimension_semantics<core_parallel>, #tpu.dimension_semantics<subcore_parallel>], iteration_bounds = array<i64: 2, 16>, scalar_prefetch = 0 : i64, scratch_operands = 8 : i64, tpu.core_type = #tpu.core_type<sc_vector_subcore>, window_params = [{transform_indices = #map}, {transform_indices = #map1}, {transform_indices = #map}]} {
    %mul3A = arith.constant 64 : i32
    %mul3A_0 = arith.muli %arg0, %mul3A : i32
    %broadcast_in_dim3A = arith.constant 0.000000e+00 : f32
    %broadcast_in_dim3A_1 = vector.broadcast %broadcast_in_dim3A : f32 to vector<16xf32>
    %scan3A = arith.constant 0 : i32
    %scan3A_2 = arith.constant 0 : i32
    %scan3A_3 = arith.constant 200 : i32
    %scan3A_4 = arith.addi %scan3A_2, %scan3A_3 : i32
    %scan3A_5 = arith.constant 1 : i32
    %scan3A_6 = scf.for %scan3A_117 = %scan3A_2 to %scan3A_4 step %scan3A_5 iter_args(%scan3A_118 = %scan3A) -> (i32)  : i32 {
      %swap3A = arith.index_cast %scan3A_117 : i32 to index
      %swap3A_119 = arith.constant 0 : index
      %swap3A_120 = tpu.vector_load %arg5[%swap3A, %swap3A_119] {strides = array<i32>} : memref<200x64xf32, #tpu.memory_space<vmem>>, vector<1x16xf32>,
      %swap3A_121 = vector.shape_cast %swap3A_120 : vector<1x16xf32> to vector<16xf32>
      %swap3A_122 = vector.shape_cast %broadcast_in_dim3A_1 : vector<16xf32> to vector<1x16xf32>
      tpu.vector_store %arg5[%swap3A, %swap3A_119], %swap3A_122 {strides = array<i32>} : memref<200x64xf32, #tpu.memory_space<vmem>>, vector<1x16xf32>,
      %swap3A_123 = arith.index_cast %scan3A_117 : i32 to index
      %swap3A_124 = arith.constant 16 : index
      %swap3A_125 = tpu.vector_load %arg5[%swap3A_123, %swap3A_124] {strides = array<i32>} : memref<200x64xf32, #tpu.memory_space<vmem>>, vector<1x16xf32>,
      %swap3A_126 = vector.shape_cast %swap3A_125 : vector<1x16xf32> to vector<16xf32>
      %swap3A_127 = vector.shape_cast %broadcast_in_dim3A_1 : vector<16xf32> to vector<1x16xf32>
      tpu.vector_store %arg5[%swap3A_123, %swap3A_124], %swap3A_127 {strides = array<i32>} : memref<200x64xf32, #tpu.memory_space<vmem>>, vector<1x16xf32>,
      %swap3A_128 = arith.index_cast %scan3A_117 : i32 to index
      %swap3A_129 = arith.constant 32 : index
      %swap3A_130 = tpu.vector_load %arg5[%swap3A_128, %swap3A_129] {strides = array<i32>} : memref<200x64xf32, #tpu.memory_space<vmem>>, vector<1x16xf32>,
      %swap3A_131 = vector.shape_cast %swap3A_130 : vector<1x16xf32> to vector<16xf32>
      %swap3A_132 = vector.shape_cast %broadcast_in_dim3A_1 : vector<16xf32> to vector<1x16xf32>
      tpu.vector_store %arg5[%swap3A_128, %swap3A_129], %swap3A_132 {strides = array<i32>} : memref<200x64xf32, #tpu.memory_space<vmem>>, vector<1x16xf32>,
      %swap3A_133 = arith.index_cast %scan3A_117 : i32 to index
      %swap3A_134 = arith.constant 48 : index
      %swap3A_135 = tpu.vector_load %arg5[%swap3A_133, %swap3A_134] {strides = array<i32>} : memref<200x64xf32, #tpu.memory_space<vmem>>, vector<1x16xf32>,
      %swap3A_136 = vector.shape_cast %swap3A_135 : vector<1x16xf32> to vector<16xf32>
      %swap3A_137 = vector.shape_cast %broadcast_in_dim3A_1 : vector<16xf32> to vector<1x16xf32>
      tpu.vector_store %arg5[%swap3A_133, %swap3A_134], %swap3A_137 {strides = array<i32>} : memref<200x64xf32, #tpu.memory_space<vmem>>, vector<1x16xf32>,
      %scan3A_138 = arith.constant 0 : i32
      scf.yield %scan3A_138 : i32
    }
    %scan3A_7 = arith.constant 200 : i32
    %scan3A_8 = arith.constant 0 : i32
    %scan3A_9 = arith.constant 0 : i32
    %scan3A_10 = arith.constant 2 : i32
    %scan3A_11 = arith.addi %scan3A_9, %scan3A_10 : i32
    %scan3A_12 = arith.constant 1 : i32
    %scan3A_13 = scf.for %scan3A_117 = %scan3A_9 to %scan3A_11 step %scan3A_12 iter_args(%scan3A_118 = %scan3A_8) -> (i32)  : i32 {
      %mul3A_119 = arith.constant 16 : i32
      %mul3A_120 = arith.muli %scan3A_117, %mul3A_119 : i32
      %add3A_121 = arith.addi %arg1, %mul3A_120 : i32
      %lt3A_122 = arith.constant 31 : i32
      %lt3A_123 = arith.cmpi slt, %add3A_121, %lt3A_122 : i32
      %convert_element_type3A_124 = arith.extui %lt3A_123 : i1 to i32
      %cond3A_125 = arith.constant 0 : i32
      %cond3A_126 = arith.cmpi ne, %convert_element_type3A_124, %cond3A_125 : i32
      scf.if %cond3A_126 {
        %mul3A_128 = arith.constant 200 : i32
        %mul3A_129 = arith.muli %add3A_121, %mul3A_128 : i32
        %dma_start3A = arith.constant 0 : i32
        %dma_start3A_130 = arith.constant 0 : i32
        %dma_start3A_131 = tpu.memref_slice %arg5[%dma_start3A, %dma_start3A_130] : memref<200x64xf32, #tpu.memory_space<vmem>> -> memref<200x64xf32, #tpu.memory_space<vmem>>
        %dma_start3A_132 = arith.constant 0 : i32
        %dma_start3A_133 = tpu.memref_slice %arg9[%mul3A_129, %dma_start3A_132] : memref<6250x64xf32, #tpu.memory_space<vmem_shared>> -> memref<200x64xf32, #tpu.memory_space<vmem_shared>>
        %dma_start3A_134 = arith.constant 0 : i32
        %dma_start3A_135 = tpu.memref_slice %arg9[%mul3A_129, %dma_start3A_134] : memref<6250x64xf32, #tpu.memory_space<vmem_shared>> -> memref<200x64xf32, #tpu.memory_space<vmem_shared>>
        %dma_start3A_136 = arith.constant 0 : i32
        %dma_start3A_137 = arith.constant 0 : i32
        %dma_start3A_138 = tpu.memref_slice %arg5[%dma_start3A_136, %dma_start3A_137] : memref<200x64xf32, #tpu.memory_space<vmem>> -> memref<200x64xf32, #tpu.memory_space<vmem>>
        tpu.enqueue_dma source(%dma_start3A_138 : memref<200x64xf32, #tpu.memory_space<vmem>>) target(%dma_start3A_135 : memref<200x64xf32, #tpu.memory_space<vmem_shared>>) target_semaphore(%arg12 : memref<!tpu.dma_semaphore, #tpu.memory_space<semaphore_mem>>)
      } else {
      }
      %scan3A_127 = arith.constant 0 : i32
      scf.yield %scan3A_127 : i32
    }
    %scan3A_14 = arith.constant 2 : i32
    %eq3A = arith.constant 15 : i32
    %eq3A_15 = arith.cmpi eq, %arg1, %eq3A : i32
    %convert_element_type3A = arith.extui %eq3A_15 : i1 to i32
    %cond3A = arith.constant 0 : i32
    %cond3A_16 = arith.cmpi ne, %convert_element_type3A, %cond3A : i32
    scf.if %cond3A_16 {
      %dma_start3A = arith.constant 0 : i32
      %dma_start3A_117 = arith.constant 0 : i32
      %dma_start3A_118 = tpu.memref_slice %arg5[%dma_start3A, %dma_start3A_117] : memref<200x64xf32, #tpu.memory_space<vmem>> -> memref<50x64xf32, #tpu.memory_space<vmem>>
      %dma_start3A_119 = arith.constant 6200 : i32
      %dma_start3A_120 = arith.constant 0 : i32
      %dma_start3A_121 = tpu.memref_slice %arg9[%dma_start3A_119, %dma_start3A_120] : memref<6250x64xf32, #tpu.memory_space<vmem_shared>> -> memref<50x64xf32, #tpu.memory_space<vmem_shared>>
      %dma_start3A_122 = arith.constant 6200 : i32
      %dma_start3A_123 = arith.constant 0 : i32
      %dma_start3A_124 = tpu.memref_slice %arg9[%dma_start3A_122, %dma_start3A_123] : memref<6250x64xf32, #tpu.memory_space<vmem_shared>> -> memref<50x64xf32, #tpu.memory_space<vmem_shared>>
      %dma_start3A_125 = arith.constant 0 : i32
      %dma_start3A_126 = arith.constant 0 : i32
      %dma_start3A_127 = tpu.memref_slice %arg5[%dma_start3A_125, %dma_start3A_126] : memref<200x64xf32, #tpu.memory_space<vmem>> -> memref<50x64xf32, #tpu.memory_space<vmem>>
      tpu.enqueue_dma source(%dma_start3A_127 : memref<50x64xf32, #tpu.memory_space<vmem>>) target(%dma_start3A_124 : memref<50x64xf32, #tpu.memory_space<vmem_shared>>) target_semaphore(%arg12 : memref<!tpu.dma_semaphore, #tpu.memory_space<semaphore_mem>>)
    } else {
    }
    %scan3A_17 = arith.constant 0 : i32
    %scan3A_18 = arith.constant 0 : i32
    %scan3A_19 = arith.constant 2 : i32
    %scan3A_20 = arith.addi %scan3A_18, %scan3A_19 : i32
    %scan3A_21 = arith.constant 1 : i32
    %scan3A_22 = scf.for %scan3A_117 = %scan3A_18 to %scan3A_20 step %scan3A_21 iter_args(%scan3A_118 = %scan3A_17) -> (i32)  : i32 {
      %mul3A_119 = arith.constant 16 : i32
      %mul3A_120 = arith.muli %scan3A_117, %mul3A_119 : i32
      %add3A_121 = arith.addi %arg1, %mul3A_120 : i32
      %lt3A_122 = arith.constant 31 : i32
      %lt3A_123 = arith.cmpi slt, %add3A_121, %lt3A_122 : i32
      %convert_element_type3A_124 = arith.extui %lt3A_123 : i1 to i32
      %cond3A_125 = arith.constant 0 : i32
      %cond3A_126 = arith.cmpi ne, %convert_element_type3A_124, %cond3A_125 : i32
      scf.if %cond3A_126 {
        %mul3A_128 = arith.constant 200 : i32
        %mul3A_129 = arith.muli %add3A_121, %mul3A_128 : i32
        %dma_wait3A = arith.constant 0 : i32
        %dma_wait3A_130 = arith.constant 0 : i32
        %dma_wait3A_131 = tpu.memref_slice %arg5[%dma_wait3A, %dma_wait3A_130] : memref<200x64xf32, #tpu.memory_space<vmem>> -> memref<200x64xf32, #tpu.memory_space<vmem>>
        %dma_wait3A_132 = arith.constant 0 : i32
        %dma_wait3A_133 = tpu.memref_slice %arg9[%mul3A_129, %dma_wait3A_132] : memref<6250x64xf32, #tpu.memory_space<vmem_shared>> -> memref<200x64xf32, #tpu.memory_space<vmem_shared>>
        %dma_wait3A_134 = arith.constant 0 : i32
        %dma_wait3A_135 = tpu.memref_slice %arg9[%mul3A_129, %dma_wait3A_134] : memref<6250x64xf32, #tpu.memory_space<vmem_shared>> -> memref<200x64xf32, #tpu.memory_space<vmem_shared>>
        %dma_wait3A_136 = arith.constant 0 : i32
        %dma_wait3A_137 = arith.constant 0 : i32
        %dma_wait3A_138 = tpu.memref_slice %arg5[%dma_wait3A_136, %dma_wait3A_137] : memref<200x64xf32, #tpu.memory_space<vmem>> -> memref<200x64xf32, #tpu.memory_space<vmem>>
        tpu.wait_dma2 semaphore(%arg12 : memref<!tpu.dma_semaphore, #tpu.memory_space<semaphore_mem>>) src(%dma_wait3A_138 : memref<200x64xf32, #tpu.memory_space<vmem>>) dst(%dma_wait3A_135 : memref<200x64xf32, #tpu.memory_space<vmem_shared>>)
      } else {
      }
      %scan3A_127 = arith.constant 0 : i32
      scf.yield %scan3A_127 : i32
    }
    %scan3A_23 = arith.constant 2 : i32
    %eq3A_24 = arith.constant 15 : i32
    %eq3A_25 = arith.cmpi eq, %arg1, %eq3A_24 : i32
    %convert_element_type3A_26 = arith.extui %eq3A_25 : i1 to i32
    %cond3A_27 = arith.constant 0 : i32
    %cond3A_28 = arith.cmpi ne, %convert_element_type3A_26, %cond3A_27 : i32
    scf.if %cond3A_28 {
      %dma_wait3A = arith.constant 0 : i32
      %dma_wait3A_117 = arith.constant 0 : i32
      %dma_wait3A_118 = tpu.memref_slice %arg5[%dma_wait3A, %dma_wait3A_117] : memref<200x64xf32, #tpu.memory_space<vmem>> -> memref<50x64xf32, #tpu.memory_space<vmem>>
      %dma_wait3A_119 = arith.constant 6200 : i32
      %dma_wait3A_120 = arith.constant 0 : i32
      %dma_wait3A_121 = tpu.memref_slice %arg9[%dma_wait3A_119, %dma_wait3A_120] : memref<6250x64xf32, #tpu.memory_space<vmem_shared>> -> memref<50x64xf32, #tpu.memory_space<vmem_shared>>
      %dma_wait3A_122 = arith.constant 6200 : i32
      %dma_wait3A_123 = arith.constant 0 : i32
      %dma_wait3A_124 = tpu.memref_slice %arg9[%dma_wait3A_122, %dma_wait3A_123] : memref<6250x64xf32, #tpu.memory_space<vmem_shared>> -> memref<50x64xf32, #tpu.memory_space<vmem_shared>>
      %dma_wait3A_125 = arith.constant 0 : i32
      %dma_wait3A_126 = arith.constant 0 : i32
      %dma_wait3A_127 = tpu.memref_slice %arg5[%dma_wait3A_125, %dma_wait3A_126] : memref<200x64xf32, #tpu.memory_space<vmem>> -> memref<50x64xf32, #tpu.memory_space<vmem>>
      tpu.wait_dma2 semaphore(%arg12 : memref<!tpu.dma_semaphore, #tpu.memory_space<semaphore_mem>>) src(%dma_wait3A_127 : memref<50x64xf32, #tpu.memory_space<vmem>>) dst(%dma_wait3A_124 : memref<50x64xf32, #tpu.memory_space<vmem_shared>>)
    } else {
    }
    %add3A = arith.constant 0 : i32
    %add3A_29 = arith.addi %arg1, %add3A : i32
    %lt3A = arith.constant 125 : i32
    %lt3A_30 = arith.cmpi slt, %add3A_29, %lt3A : i32
    %convert_element_type3A_31 = arith.extui %lt3A_30 : i1 to i32
    %cond3A_32 = arith.constant 0 : i32
    %cond3A_33 = arith.cmpi ne, %convert_element_type3A_31, %cond3A_32 : i32
    scf.if %cond3A_33 {
      %mul3A_117 = arith.constant 200 : i32
      %mul3A_118 = arith.muli %add3A_29, %mul3A_117 : i32
      %dma_start3A = tpu.memref_slice %arg3[%mul3A_118] : memref<25000xi32, #tpu.memory_space<hbm>> -> memref<200xi32, #tpu.memory_space<hbm>>
      %dma_start3A_119 = tpu.memref_slice %arg3[%mul3A_118] : memref<25000xi32, #tpu.memory_space<hbm>> -> memref<200xi32, #tpu.memory_space<hbm>>
      tpu.enqueue_dma source(%dma_start3A_119 : memref<200xi32, #tpu.memory_space<hbm>>) target(%arg7 : memref<200xi32, #tpu.memory_space<vmem>>) target_semaphore(%arg10 : memref<!tpu.dma_semaphore, #tpu.memory_space<semaphore_mem>>)
      %dma_start3A_120 = tpu.memref_slice %arg2[%mul3A_118, %mul3A_0] : memref<25000x128xf32, #tpu.memory_space<hbm>> -> memref<200x64xf32, #tpu.memory_space<hbm>>
      %dma_start3A_121 = tpu.memref_slice %arg2[%mul3A_118, %mul3A_0] : memref<25000x128xf32, #tpu.memory_space<hbm>> -> memref<200x64xf32, #tpu.memory_space<hbm>>
      tpu.enqueue_dma source(%dma_start3A_121 : memref<200x64xf32, #tpu.memory_space<hbm>>) target(%arg5 : memref<200x64xf32, #tpu.memory_space<vmem>>) target_semaphore(%arg10 : memref<!tpu.dma_semaphore, #tpu.memory_space<semaphore_mem>>)
    } else {
    }
    %add3A_34 = arith.constant 16 : i32
    %add3A_35 = arith.addi %arg1, %add3A_34 : i32
    %lt3A_36 = arith.constant 125 : i32
    %lt3A_37 = arith.cmpi slt, %add3A_35, %lt3A_36 : i32
    %convert_element_type3A_38 = arith.extui %lt3A_37 : i1 to i32
    %cond3A_39 = arith.constant 0 : i32
    %cond3A_40 = arith.cmpi ne, %convert_element_type3A_38, %cond3A_39 : i32
    scf.if %cond3A_40 {
      %mul3A_117 = arith.constant 200 : i32
      %mul3A_118 = arith.muli %add3A_35, %mul3A_117 : i32
      %dma_start3A = tpu.memref_slice %arg3[%mul3A_118] : memref<25000xi32, #tpu.memory_space<hbm>> -> memref<200xi32, #tpu.memory_space<hbm>>
      %dma_start3A_119 = tpu.memref_slice %arg3[%mul3A_118] : memref<25000xi32, #tpu.memory_space<hbm>> -> memref<200xi32, #tpu.memory_space<hbm>>
      tpu.enqueue_dma source(%dma_start3A_119 : memref<200xi32, #tpu.memory_space<hbm>>) target(%arg8 : memref<200xi32, #tpu.memory_space<vmem>>) target_semaphore(%arg11 : memref<!tpu.dma_semaphore, #tpu.memory_space<semaphore_mem>>)
      %dma_start3A_120 = tpu.memref_slice %arg2[%mul3A_118, %mul3A_0] : memref<25000x128xf32, #tpu.memory_space<hbm>> -> memref<200x64xf32, #tpu.memory_space<hbm>>
      %dma_start3A_121 = tpu.memref_slice %arg2[%mul3A_118, %mul3A_0] : memref<25000x128xf32, #tpu.memory_space<hbm>> -> memref<200x64xf32, #tpu.memory_space<hbm>>
      tpu.enqueue_dma source(%dma_start3A_121 : memref<200x64xf32, #tpu.memory_space<hbm>>) target(%arg6 : memref<200x64xf32, #tpu.memory_space<vmem>>) target_semaphore(%arg11 : memref<!tpu.dma_semaphore, #tpu.memory_space<semaphore_mem>>)
    } else {
    }
    %barrier3A = arith.constant 0 : index
    tpu.barrier barrier_id(%barrier3A)
    %scan3A_41 = arith.constant 0 : i32
    %scan3A_42 = arith.constant 0 : i32
    %scan3A_43 = arith.constant 4 : i32
    %scan3A_44 = arith.addi %scan3A_42, %scan3A_43 : i32
    %scan3A_45 = arith.constant 1 : i32
    %scan3A_46 = scf.for %scan3A_117 = %scan3A_42 to %scan3A_44 step %scan3A_45 iter_args(%scan3A_118 = %scan3A_41) -> (i32)  : i32 {
      %mul3A_119 = arith.constant 2 : i32
      %mul3A_120 = arith.muli %mul3A_119, %scan3A_117 : i32
      %mul3A_121 = arith.constant 16 : i32
      %mul3A_122 = arith.muli %mul3A_120, %mul3A_121 : i32
      %add3A_123 = arith.addi %arg1, %mul3A_122 : i32
      %lt3A_124 = arith.constant 125 : i32
      %lt3A_125 = arith.cmpi slt, %add3A_123, %lt3A_124 : i32
      %convert_element_type3A_126 = arith.extui %lt3A_125 : i1 to i32
      %cond3A_127 = arith.constant 0 : i32
      %cond3A_128 = arith.cmpi ne, %convert_element_type3A_126, %cond3A_127 : i32
      scf.if %cond3A_128 {
        %mul3A_166 = arith.constant 200 : i32
        %mul3A_167 = arith.muli %add3A_123, %mul3A_166 : i32
        %dma_wait3A = tpu.memref_slice %arg3[%mul3A_167] : memref<25000xi32, #tpu.memory_space<hbm>> -> memref<200xi32, #tpu.memory_space<hbm>>
        %dma_wait3A_168 = tpu.memref_slice %arg3[%mul3A_167] : memref<25000xi32, #tpu.memory_space<hbm>> -> memref<200xi32, #tpu.memory_space<hbm>>
        tpu.wait_dma2 semaphore(%arg10 : memref<!tpu.dma_semaphore, #tpu.memory_space<semaphore_mem>>) src(%dma_wait3A_168 : memref<200xi32, #tpu.memory_space<hbm>>) dst(%arg7 : memref<200xi32, #tpu.memory_space<vmem>>)
        %dma_wait3A_169 = tpu.memref_slice %arg2[%mul3A_167, %mul3A_0] : memref<25000x128xf32, #tpu.memory_space<hbm>> -> memref<200x64xf32, #tpu.memory_space<hbm>>
        %dma_wait3A_170 = tpu.memref_slice %arg2[%mul3A_167, %mul3A_0] : memref<25000x128xf32, #tpu.memory_space<hbm>> -> memref<200x64xf32, #tpu.memory_space<hbm>>
        tpu.wait_dma2 semaphore(%arg10 : memref<!tpu.dma_semaphore, #tpu.memory_space<semaphore_mem>>) src(%dma_wait3A_170 : memref<200x64xf32, #tpu.memory_space<hbm>>) dst(%arg5 : memref<200x64xf32, #tpu.memory_space<vmem>>)
        "tpu.region"() ({
          %run_scoped3A = tpu.sem_alloc : memref<!tpu.dma_semaphore, #tpu.memory_space<semaphore_mem>>
          %dma_start3A = arith.constant 0 : i32
          %dma_start3A_171 = arith.constant 0 : i32
          %dma_start3A_172 = tpu.memref_slice %arg9[%dma_start3A, %dma_start3A_171] : memref<6250x64xf32, #tpu.memory_space<vmem_shared>> -> memref<6250x64xf32, #tpu.memory_space<vmem_shared>>
          tpu.enqueue_indirect_dma source(%arg5 : memref<200x64xf32, #tpu.memory_space<vmem>>) target(%dma_start3A_172 : memref<6250x64xf32, #tpu.memory_space<vmem_shared>>) offsets(%arg7 : memref<200xi32, #tpu.memory_space<vmem>>) semaphore(%run_scoped3A : memref<!tpu.dma_semaphore, #tpu.memory_space<semaphore_mem>>) {add = true}
          %dma_wait3A_173 = arith.constant 0 : i32
          %dma_wait3A_174 = arith.constant 0 : i32
          %dma_wait3A_175 = tpu.memref_slice %arg9[%dma_wait3A_173, %dma_wait3A_174] : memref<6250x64xf32, #tpu.memory_space<vmem_shared>> -> memref<6250x64xf32, #tpu.memory_space<vmem_shared>>
          tpu.wait_indirect_dma semaphore(%run_scoped3A : memref<!tpu.dma_semaphore, #tpu.memory_space<semaphore_mem>>) src(%arg5 : memref<200x64xf32, #tpu.memory_space<vmem>>) dst(%dma_wait3A_175 : memref<6250x64xf32, #tpu.memory_space<vmem_shared>>)
          tpu.yield
        }) : () -> ()
      } else {
      }
      %mul3A_129 = arith.constant 2 : i32
      %mul3A_130 = arith.muli %mul3A_129, %scan3A_117 : i32
      %add3A_131 = arith.constant 2 : i32
      %add3A_132 = arith.addi %mul3A_130, %add3A_131 : i32
      %mul3A_133 = arith.constant 16 : i32
      %mul3A_134 = arith.muli %add3A_132, %mul3A_133 : i32
      %add3A_135 = arith.addi %arg1, %mul3A_134 : i32
      %lt3A_136 = arith.constant 125 : i32
      %lt3A_137 = arith.cmpi slt, %add3A_135, %lt3A_136 : i32
      %convert_element_type3A_138 = arith.extui %lt3A_137 : i1 to i32
      %cond3A_139 = arith.constant 0 : i32
      %cond3A_140 = arith.cmpi ne, %convert_element_type3A_138, %cond3A_139 : i32
      scf.if %cond3A_140 {
        %mul3A_166 = arith.constant 200 : i32
        %mul3A_167 = arith.muli %add3A_135, %mul3A_166 : i32
        %dma_start3A = tpu.memref_slice %arg3[%mul3A_167] : memref<25000xi32, #tpu.memory_space<hbm>> -> memref<200xi32, #tpu.memory_space<hbm>>
        %dma_start3A_168 = tpu.memref_slice %arg3[%mul3A_167] : memref<25000xi32, #tpu.memory_space<hbm>> -> memref<200xi32, #tpu.memory_space<hbm>>
        tpu.enqueue_dma source(%dma_start3A_168 : memref<200xi32, #tpu.memory_space<hbm>>) target(%arg7 : memref<200xi32, #tpu.memory_space<vmem>>) target_semaphore(%arg10 : memref<!tpu.dma_semaphore, #tpu.memory_space<semaphore_mem>>)
        %dma_start3A_169 = tpu.memref_slice %arg2[%mul3A_167, %mul3A_0] : memref<25000x128xf32, #tpu.memory_space<hbm>> -> memref<200x64xf32, #tpu.memory_space<hbm>>
        %dma_start3A_170 = tpu.memref_slice %arg2[%mul3A_167, %mul3A_0] : memref<25000x128xf32, #tpu.memory_space<hbm>> -> memref<200x64xf32, #tpu.memory_space<hbm>>
        tpu.enqueue_dma source(%dma_start3A_170 : memref<200x64xf32, #tpu.memory_space<hbm>>) target(%arg5 : memref<200x64xf32, #tpu.memory_space<vmem>>) target_semaphore(%arg10 : memref<!tpu.dma_semaphore, #tpu.memory_space<semaphore_mem>>)
      } else {
      }
      %mul3A_141 = arith.constant 2 : i32
      %mul3A_142 = arith.muli %mul3A_141, %scan3A_117 : i32
      %add3A_143 = arith.constant 1 : i32
      %add3A_144 = arith.addi %mul3A_142, %add3A_143 : i32
      %mul3A_145 = arith.constant 16 : i32
      %mul3A_146 = arith.muli %add3A_144, %mul3A_145 : i32
      %add3A_147 = arith.addi %arg1, %mul3A_146 : i32
      %lt3A_148 = arith.constant 125 : i32
      %lt3A_149 = arith.cmpi slt, %add3A_147, %lt3A_148 : i32
      %convert_element_type3A_150 = arith.extui %lt3A_149 : i1 to i32
      %cond3A_151 = arith.constant 0 : i32
      %cond3A_152 = arith.cmpi ne, %convert_element_type3A_150, %cond3A_151 : i32
      scf.if %cond3A_152 {
        %mul3A_166 = arith.constant 200 : i32
        %mul3A_167 = arith.muli %add3A_147, %mul3A_166 : i32
        %dma_wait3A = tpu.memref_slice %arg3[%mul3A_167] : memref<25000xi32, #tpu.memory_space<hbm>> -> memref<200xi32, #tpu.memory_space<hbm>>
        %dma_wait3A_168 = tpu.memref_slice %arg3[%mul3A_167] : memref<25000xi32, #tpu.memory_space<hbm>> -> memref<200xi32, #tpu.memory_space<hbm>>
        tpu.wait_dma2 semaphore(%arg11 : memref<!tpu.dma_semaphore, #tpu.memory_space<semaphore_mem>>) src(%dma_wait3A_168 : memref<200xi32, #tpu.memory_space<hbm>>) dst(%arg8 : memref<200xi32, #tpu.memory_space<vmem>>)
        %dma_wait3A_169 = tpu.memref_slice %arg2[%mul3A_167, %mul3A_0] : memref<25000x128xf32, #tpu.memory_space<hbm>> -> memref<200x64xf32, #tpu.memory_space<hbm>>
        %dma_wait3A_170 = tpu.memref_slice %arg2[%mul3A_167, %mul3A_0] : memref<25000x128xf32, #tpu.memory_space<hbm>> -> memref<200x64xf32, #tpu.memory_space<hbm>>
        tpu.wait_dma2 semaphore(%arg11 : memref<!tpu.dma_semaphore, #tpu.memory_space<semaphore_mem>>) src(%dma_wait3A_170 : memref<200x64xf32, #tpu.memory_space<hbm>>) dst(%arg6 : memref<200x64xf32, #tpu.memory_space<vmem>>)
        "tpu.region"() ({
          %run_scoped3A = tpu.sem_alloc : memref<!tpu.dma_semaphore, #tpu.memory_space<semaphore_mem>>
          %dma_start3A = arith.constant 0 : i32
          %dma_start3A_171 = arith.constant 0 : i32
          %dma_start3A_172 = tpu.memref_slice %arg9[%dma_start3A, %dma_start3A_171] : memref<6250x64xf32, #tpu.memory_space<vmem_shared>> -> memref<6250x64xf32, #tpu.memory_space<vmem_shared>>
          tpu.enqueue_indirect_dma source(%arg6 : memref<200x64xf32, #tpu.memory_space<vmem>>) target(%dma_start3A_172 : memref<6250x64xf32, #tpu.memory_space<vmem_shared>>) offsets(%arg8 : memref<200xi32, #tpu.memory_space<vmem>>) semaphore(%run_scoped3A : memref<!tpu.dma_semaphore, #tpu.memory_space<semaphore_mem>>) {add = true}
          %dma_wait3A_173 = arith.constant 0 : i32
          %dma_wait3A_174 = arith.constant 0 : i32
          %dma_wait3A_175 = tpu.memref_slice %arg9[%dma_wait3A_173, %dma_wait3A_174] : memref<6250x64xf32, #tpu.memory_space<vmem_shared>> -> memref<6250x64xf32, #tpu.memory_space<vmem_shared>>
          tpu.wait_indirect_dma semaphore(%run_scoped3A : memref<!tpu.dma_semaphore, #tpu.memory_space<semaphore_mem>>) src(%arg6 : memref<200x64xf32, #tpu.memory_space<vmem>>) dst(%dma_wait3A_175 : memref<6250x64xf32, #tpu.memory_space<vmem_shared>>)
          tpu.yield
        }) : () -> ()
      } else {
      }
      %mul3A_153 = arith.constant 2 : i32
      %mul3A_154 = arith.muli %mul3A_153, %scan3A_117 : i32
      %add3A_155 = arith.constant 3 : i32
      %add3A_156 = arith.addi %mul3A_154, %add3A_155 : i32
      %mul3A_157 = arith.constant 16 : i32
      %mul3A_158 = arith.muli %add3A_156, %mul3A_157 : i32
      %add3A_159 = arith.addi %arg1, %mul3A_158 : i32
      %lt3A_160 = arith.constant 125 : i32
      %lt3A_161 = arith.cmpi slt, %add3A_159, %lt3A_160 : i32
      %convert_element_type3A_162 = arith.extui %lt3A_161 : i1 to i32
      %cond3A_163 = arith.constant 0 : i32
      %cond3A_164 = arith.cmpi ne, %convert_element_type3A_162, %cond3A_163 : i32
      scf.if %cond3A_164 {
        %mul3A_166 = arith.constant 200 : i32
        %mul3A_167 = arith.muli %add3A_159, %mul3A_166 : i32
        %dma_start3A = tpu.memref_slice %arg3[%mul3A_167] : memref<25000xi32, #tpu.memory_space<hbm>> -> memref<200xi32, #tpu.memory_space<hbm>>
        %dma_start3A_168 = tpu.memref_slice %arg3[%mul3A_167] : memref<25000xi32, #tpu.memory_space<hbm>> -> memref<200xi32, #tpu.memory_space<hbm>>
        tpu.enqueue_dma source(%dma_start3A_168 : memref<200xi32, #tpu.memory_space<hbm>>) target(%arg8 : memref<200xi32, #tpu.memory_space<vmem>>) target_semaphore(%arg11 : memref<!tpu.dma_semaphore, #tpu.memory_space<semaphore_mem>>)
        %dma_start3A_169 = tpu.memref_slice %arg2[%mul3A_167, %mul3A_0] : memref<25000x128xf32, #tpu.memory_space<hbm>> -> memref<200x64xf32, #tpu.memory_space<hbm>>
        %dma_start3A_170 = tpu.memref_slice %arg2[%mul3A_167, %mul3A_0] : memref<25000x128xf32, #tpu.memory_space<hbm>> -> memref<200x64xf32, #tpu.memory_space<hbm>>
        tpu.enqueue_dma source(%dma_start3A_170 : memref<200x64xf32, #tpu.memory_space<hbm>>) target(%arg6 : memref<200x64xf32, #tpu.memory_space<vmem>>) target_semaphore(%arg11 : memref<!tpu.dma_semaphore, #tpu.memory_space<semaphore_mem>>)
      } else {
      }
      %scan3A_165 = arith.constant 0 : i32
      scf.yield %scan3A_165 : i32
    }
    %scan3A_47 = arith.constant 4 : i32
    %barrier3A_48 = arith.constant 0 : index
    tpu.barrier barrier_id(%barrier3A_48)
    %scan3A_49 = arith.constant 0 : i32
    %scan3A_50 = arith.constant 0 : i32
    %mul3A_51 = arith.constant 2 : i32
    %mul3A_52 = arith.muli %mul3A_51, %scan3A_50 : i32
    %mul3A_53 = arith.constant 16 : i32
    %mul3A_54 = arith.muli %mul3A_52, %mul3A_53 : i32
    %add3A_55 = arith.addi %arg1, %mul3A_54 : i32
    %lt3A_56 = arith.constant 31 : i32
    %lt3A_57 = arith.cmpi slt, %add3A_55, %lt3A_56 : i32
    %convert_element_type3A_58 = arith.extui %lt3A_57 : i1 to i32
    %cond3A_59 = arith.constant 0 : i32
    %cond3A_60 = arith.cmpi ne, %convert_element_type3A_58, %cond3A_59 : i32
    scf.if %cond3A_60 {
      %ge3A_117 = arith.constant 2 : i32
      %ge3A_118 = arith.cmpi sge, %mul3A_52, %ge3A_117 : i32
      %convert_element_type3A_119 = arith.extui %ge3A_118 : i1 to i32
      %cond3A_120 = arith.constant 0 : i32
      %cond3A_121 = arith.cmpi ne, %convert_element_type3A_119, %cond3A_120 : i32
      scf.if %cond3A_121 {
        %sub3A_127 = arith.constant 32 : i32
        %sub3A_128 = arith.subi %add3A_55, %sub3A_127 : i32
        %mul3A_129 = arith.constant 200 : i32
        %mul3A_130 = arith.muli %sub3A_128, %mul3A_129 : i32
        %dma_wait3A = tpu.memref_slice %arg4[%mul3A_130, %mul3A_0] : memref<6250x128xf32, #tpu.memory_space<hbm>> -> memref<200x64xf32, #tpu.memory_space<hbm>>
        %dma_wait3A_131 = tpu.memref_slice %arg4[%mul3A_130, %mul3A_0] : memref<6250x128xf32, #tpu.memory_space<hbm>> -> memref<200x64xf32, #tpu.memory_space<hbm>>
        tpu.wait_dma2 semaphore(%arg10 : memref<!tpu.dma_semaphore, #tpu.memory_space<semaphore_mem>>) src(%arg5 : memref<200x64xf32, #tpu.memory_space<vmem>>) dst(%dma_wait3A_131 : memref<200x64xf32, #tpu.memory_space<hbm>>)
      } else {
      }
      %mul3A_122 = arith.constant 200 : i32
      %mul3A_123 = arith.muli %add3A_55, %mul3A_122 : i32
      "tpu.region"() ({
        %run_scoped3A = tpu.sem_alloc : memref<!tpu.dma_semaphore, #tpu.memory_space<semaphore_mem>>
        %dma_start3A_127 = arith.constant 0 : i32
        %dma_start3A_128 = tpu.memref_slice %arg9[%mul3A_123, %dma_start3A_127] : memref<6250x64xf32, #tpu.memory_space<vmem_shared>> -> memref<200x64xf32, #tpu.memory_space<vmem_shared>>
        %dma_start3A_129 = arith.constant 0 : i32
        %dma_start3A_130 = tpu.memref_slice %arg9[%mul3A_123, %dma_start3A_129] : memref<6250x64xf32, #tpu.memory_space<vmem_shared>> -> memref<200x64xf32, #tpu.memory_space<vmem_shared>>
        tpu.enqueue_dma source(%dma_start3A_130 : memref<200x64xf32, #tpu.memory_space<vmem_shared>>) target(%arg5 : memref<200x64xf32, #tpu.memory_space<vmem>>) target_semaphore(%run_scoped3A : memref<!tpu.dma_semaphore, #tpu.memory_space<semaphore_mem>>)
        %dma_wait3A = arith.constant 0 : i32
        %dma_wait3A_131 = tpu.memref_slice %arg9[%mul3A_123, %dma_wait3A] : memref<6250x64xf32, #tpu.memory_space<vmem_shared>> -> memref<200x64xf32, #tpu.memory_space<vmem_shared>>
        %dma_wait3A_132 = arith.constant 0 : i32
        %dma_wait3A_133 = tpu.memref_slice %arg9[%mul3A_123, %dma_wait3A_132] : memref<6250x64xf32, #tpu.memory_space<vmem_shared>> -> memref<200x64xf32, #tpu.memory_space<vmem_shared>>
        tpu.wait_dma2 semaphore(%run_scoped3A : memref<!tpu.dma_semaphore, #tpu.memory_space<semaphore_mem>>) src(%dma_wait3A_133 : memref<200x64xf32, #tpu.memory_space<vmem_shared>>) dst(%arg5 : memref<200x64xf32, #tpu.memory_space<vmem>>)
        tpu.yield
      }) : () -> ()
      %mul3A_124 = arith.constant 200 : i32
      %mul3A_125 = arith.muli %add3A_55, %mul3A_124 : i32
      %dma_start3A = tpu.memref_slice %arg4[%mul3A_125, %mul3A_0] : memref<6250x128xf32, #tpu.memory_space<hbm>> -> memref<200x64xf32, #tpu.memory_space<hbm>>
      %dma_start3A_126 = tpu.memref_slice %arg4[%mul3A_125, %mul3A_0] : memref<6250x128xf32, #tpu.memory_space<hbm>> -> memref<200x64xf32, #tpu.memory_space<hbm>>
      tpu.enqueue_dma source(%arg5 : memref<200x64xf32, #tpu.memory_space<vmem>>) target(%dma_start3A_126 : memref<200x64xf32, #tpu.memory_space<hbm>>) target_semaphore(%arg10 : memref<!tpu.dma_semaphore, #tpu.memory_space<semaphore_mem>>)
    } else {
    }
    %mul3A_61 = arith.constant 2 : i32
    %mul3A_62 = arith.muli %mul3A_61, %scan3A_50 : i32
    %add3A_63 = arith.constant 1 : i32
    %add3A_64 = arith.addi %mul3A_62, %add3A_63 : i32
    %mul3A_65 = arith.constant 16 : i32
    %mul3A_66 = arith.muli %add3A_64, %mul3A_65 : i32
    %add3A_67 = arith.addi %arg1, %mul3A_66 : i32
    %lt3A_68 = arith.constant 31 : i32
    %lt3A_69 = arith.cmpi slt, %add3A_67, %lt3A_68 : i32
    %convert_element_type3A_70 = arith.extui %lt3A_69 : i1 to i32
    %cond3A_71 = arith.constant 0 : i32
    %cond3A_72 = arith.cmpi ne, %convert_element_type3A_70, %cond3A_71 : i32
    scf.if %cond3A_72 {
      %ge3A_117 = arith.constant 2 : i32
      %ge3A_118 = arith.cmpi sge, %add3A_64, %ge3A_117 : i32
      %convert_element_type3A_119 = arith.extui %ge3A_118 : i1 to i32
      %cond3A_120 = arith.constant 0 : i32
      %cond3A_121 = arith.cmpi ne, %convert_element_type3A_119, %cond3A_120 : i32
      scf.if %cond3A_121 {
        %sub3A_127 = arith.constant 32 : i32
        %sub3A_128 = arith.subi %add3A_67, %sub3A_127 : i32
        %mul3A_129 = arith.constant 200 : i32
        %mul3A_130 = arith.muli %sub3A_128, %mul3A_129 : i32
        %dma_wait3A = tpu.memref_slice %arg4[%mul3A_130, %mul3A_0] : memref<6250x128xf32, #tpu.memory_space<hbm>> -> memref<200x64xf32, #tpu.memory_space<hbm>>
        %dma_wait3A_131 = tpu.memref_slice %arg4[%mul3A_130, %mul3A_0] : memref<6250x128xf32, #tpu.memory_space<hbm>> -> memref<200x64xf32, #tpu.memory_space<hbm>>
        tpu.wait_dma2 semaphore(%arg11 : memref<!tpu.dma_semaphore, #tpu.memory_space<semaphore_mem>>) src(%arg6 : memref<200x64xf32, #tpu.memory_space<vmem>>) dst(%dma_wait3A_131 : memref<200x64xf32, #tpu.memory_space<hbm>>)
      } else {
      }
      %mul3A_122 = arith.constant 200 : i32
      %mul3A_123 = arith.muli %add3A_67, %mul3A_122 : i32
      "tpu.region"() ({
        %run_scoped3A = tpu.sem_alloc : memref<!tpu.dma_semaphore, #tpu.memory_space<semaphore_mem>>
        %dma_start3A_127 = arith.constant 0 : i32
        %dma_start3A_128 = tpu.memref_slice %arg9[%mul3A_123, %dma_start3A_127] : memref<6250x64xf32, #tpu.memory_space<vmem_shared>> -> memref<200x64xf32, #tpu.memory_space<vmem_shared>>
        %dma_start3A_129 = arith.constant 0 : i32
        %dma_start3A_130 = tpu.memref_slice %arg9[%mul3A_123, %dma_start3A_129] : memref<6250x64xf32, #tpu.memory_space<vmem_shared>> -> memref<200x64xf32, #tpu.memory_space<vmem_shared>>
        tpu.enqueue_dma source(%dma_start3A_130 : memref<200x64xf32, #tpu.memory_space<vmem_shared>>) target(%arg6 : memref<200x64xf32, #tpu.memory_space<vmem>>) target_semaphore(%run_scoped3A : memref<!tpu.dma_semaphore, #tpu.memory_space<semaphore_mem>>)
        %dma_wait3A = arith.constant 0 : i32
        %dma_wait3A_131 = tpu.memref_slice %arg9[%mul3A_123, %dma_wait3A] : memref<6250x64xf32, #tpu.memory_space<vmem_shared>> -> memref<200x64xf32, #tpu.memory_space<vmem_shared>>
        %dma_wait3A_132 = arith.constant 0 : i32
        %dma_wait3A_133 = tpu.memref_slice %arg9[%mul3A_123, %dma_wait3A_132] : memref<6250x64xf32, #tpu.memory_space<vmem_shared>> -> memref<200x64xf32, #tpu.memory_space<vmem_shared>>
        tpu.wait_dma2 semaphore(%run_scoped3A : memref<!tpu.dma_semaphore, #tpu.memory_space<semaphore_mem>>) src(%dma_wait3A_133 : memref<200x64xf32, #tpu.memory_space<vmem_shared>>) dst(%arg6 : memref<200x64xf32, #tpu.memory_space<vmem>>)
        tpu.yield
      }) : () -> ()
      %mul3A_124 = arith.constant 200 : i32
      %mul3A_125 = arith.muli %add3A_67, %mul3A_124 : i32
      %dma_start3A = tpu.memref_slice %arg4[%mul3A_125, %mul3A_0] : memref<6250x128xf32, #tpu.memory_space<hbm>> -> memref<200x64xf32, #tpu.memory_space<hbm>>
      %dma_start3A_126 = tpu.memref_slice %arg4[%mul3A_125, %mul3A_0] : memref<6250x128xf32, #tpu.memory_space<hbm>> -> memref<200x64xf32, #tpu.memory_space<hbm>>
      tpu.enqueue_dma source(%arg6 : memref<200x64xf32, #tpu.memory_space<vmem>>) target(%dma_start3A_126 : memref<200x64xf32, #tpu.memory_space<hbm>>) target_semaphore(%arg11 : memref<!tpu.dma_semaphore, #tpu.memory_space<semaphore_mem>>)
    } else {
    }
    %scan3A_73 = arith.constant 0 : i32
    %scan3A_74 = arith.constant 1 : i32
    %sub3A = arith.constant 30 : i32
    %sub3A_75 = arith.subi %sub3A, %arg1 : i32
    %jit3A = arith.constant 16 : i32
    %div3A = arith.divsi %sub3A_75, %jit3A : i32
    %sign3A = arith.constant 0 : i32
    %sign3A_76 = arith.cmpi sgt, %sub3A_75, %sign3A : i32
    %sign3A_77 = arith.extui %sign3A_76 : i1 to i32
    %sign3A_78 = arith.constant 0 : i32
    %sign3A_79 = arith.cmpi slt, %sub3A_75, %sign3A_78 : i32
    %sign3A_80 = arith.extui %sign3A_79 : i1 to i32
    %sign3A_81 = arith.subi %sign3A_77, %sign3A_80 : i32
    %sign3A_82 = arith.constant 0 : i32
    %sign3A_83 = arith.cmpi sgt, %jit3A, %sign3A_82 : i32
    %sign3A_84 = arith.extui %sign3A_83 : i1 to i32
    %sign3A_85 = arith.constant 0 : i32
    %sign3A_86 = arith.cmpi slt, %jit3A, %sign3A_85 : i32
    %sign3A_87 = arith.extui %sign3A_86 : i1 to i32
    %sign3A_88 = arith.subi %sign3A_84, %sign3A_87 : i32
    %ne3A = arith.cmpi ne, %sign3A_81, %sign3A_88 : i32
    %rem3A = arith.remsi %sub3A_75, %jit3A : i32
    %ne3A_89 = arith.constant 0 : i32
    %ne3A_90 = arith.cmpi ne, %rem3A, %ne3A_89 : i32
    %and3A = arith.andi %ne3A, %ne3A_90 : i1
    %sub3A_91 = arith.constant 1 : i32
    %sub3A_92 = arith.subi %div3A, %sub3A_91 : i32
    %select_n3A = arith.select %and3A, %sub3A_92, %div3A : i32
    %sub3A_93 = arith.constant 0 : i32
    %sub3A_94 = arith.subi %select_n3A, %sub3A_93 : i32
    %and3A_95 = arith.constant 1 : i32
    %and3A_96 = arith.andi %sub3A_94, %and3A_95 : i32
    %sub3A_97 = arith.subi %select_n3A, %and3A_96 : i32
    %ge3A = arith.constant 0 : i32
    %ge3A_98 = arith.cmpi sge, %sub3A_97, %ge3A : i32
    %convert_element_type3A_99 = arith.extui %ge3A_98 : i1 to i32
    %cond3A_100 = arith.constant 0 : i32
    %cond3A_101 = arith.cmpi ne, %convert_element_type3A_99, %cond3A_100 : i32
    scf.if %cond3A_101 {
      %mul3A_117 = arith.constant 16 : i32
      %mul3A_118 = arith.muli %sub3A_97, %mul3A_117 : i32
      %add3A_119 = arith.addi %arg1, %mul3A_118 : i32
      %mul3A_120 = arith.constant 200 : i32
      %mul3A_121 = arith.muli %add3A_119, %mul3A_120 : i32
      %dma_wait3A = tpu.memref_slice %arg4[%mul3A_121, %mul3A_0] : memref<6250x128xf32, #tpu.memory_space<hbm>> -> memref<200x64xf32, #tpu.memory_space<hbm>>
      %dma_wait3A_122 = tpu.memref_slice %arg4[%mul3A_121, %mul3A_0] : memref<6250x128xf32, #tpu.memory_space<hbm>> -> memref<200x64xf32, #tpu.memory_space<hbm>>
      tpu.wait_dma2 semaphore(%arg10 : memref<!tpu.dma_semaphore, #tpu.memory_space<semaphore_mem>>) src(%arg5 : memref<200x64xf32, #tpu.memory_space<vmem>>) dst(%dma_wait3A_122 : memref<200x64xf32, #tpu.memory_space<hbm>>)
    } else {
    }
    %sub3A_102 = arith.constant 1 : i32
    %sub3A_103 = arith.subi %select_n3A, %sub3A_102 : i32
    %and3A_104 = arith.constant 1 : i32
    %and3A_105 = arith.andi %sub3A_103, %and3A_104 : i32
    %sub3A_106 = arith.subi %select_n3A, %and3A_105 : i32
    %ge3A_107 = arith.constant 0 : i32
    %ge3A_108 = arith.cmpi sge, %sub3A_106, %ge3A_107 : i32
    %convert_element_type3A_109 = arith.extui %ge3A_108 : i1 to i32
    %cond3A_110 = arith.constant 0 : i32
    %cond3A_111 = arith.cmpi ne, %convert_element_type3A_109, %cond3A_110 : i32
    scf.if %cond3A_111 {
      %mul3A_117 = arith.constant 16 : i32
      %mul3A_118 = arith.muli %sub3A_106, %mul3A_117 : i32
      %add3A_119 = arith.addi %arg1, %mul3A_118 : i32
      %mul3A_120 = arith.constant 200 : i32
      %mul3A_121 = arith.muli %add3A_119, %mul3A_120 : i32
      %dma_wait3A = tpu.memref_slice %arg4[%mul3A_121, %mul3A_0] : memref<6250x128xf32, #tpu.memory_space<hbm>> -> memref<200x64xf32, #tpu.memory_space<hbm>>
      %dma_wait3A_122 = tpu.memref_slice %arg4[%mul3A_121, %mul3A_0] : memref<6250x128xf32, #tpu.memory_space<hbm>> -> memref<200x64xf32, #tpu.memory_space<hbm>>
      tpu.wait_dma2 semaphore(%arg11 : memref<!tpu.dma_semaphore, #tpu.memory_space<semaphore_mem>>) src(%arg6 : memref<200x64xf32, #tpu.memory_space<vmem>>) dst(%dma_wait3A_122 : memref<200x64xf32, #tpu.memory_space<hbm>>)
    } else {
    }
    %eq3A_112 = arith.constant 15 : i32
    %eq3A_113 = arith.cmpi eq, %arg1, %eq3A_112 : i32
    %convert_element_type3A_114 = arith.extui %eq3A_113 : i1 to i32
    %cond3A_115 = arith.constant 0 : i32
    %cond3A_116 = arith.cmpi ne, %convert_element_type3A_114, %cond3A_115 : i32
    scf.if %cond3A_116 {
      "tpu.region"() ({
        %run_scoped3A = tpu.sem_alloc : memref<!tpu.dma_semaphore, #tpu.memory_space<semaphore_mem>>
        %dma_start3A = arith.constant 0 : i32
        %dma_start3A_117 = arith.constant 0 : i32
        %dma_start3A_118 = tpu.memref_slice %arg5[%dma_start3A, %dma_start3A_117] : memref<200x64xf32, #tpu.memory_space<vmem>> -> memref<50x64xf32, #tpu.memory_space<vmem>>
        %dma_start3A_119 = arith.constant 6200 : i32
        %dma_start3A_120 = arith.constant 0 : i32
        %dma_start3A_121 = tpu.memref_slice %arg9[%dma_start3A_119, %dma_start3A_120] : memref<6250x64xf32, #tpu.memory_space<vmem_shared>> -> memref<50x64xf32, #tpu.memory_space<vmem_shared>>
        %dma_start3A_122 = arith.constant 0 : i32
        %dma_start3A_123 = arith.constant 0 : i32
        %dma_start3A_124 = tpu.memref_slice %arg5[%dma_start3A_122, %dma_start3A_123] : memref<200x64xf32, #tpu.memory_space<vmem>> -> memref<50x64xf32, #tpu.memory_space<vmem>>
        %dma_start3A_125 = arith.constant 6200 : i32
        %dma_start3A_126 = arith.constant 0 : i32
        %dma_start3A_127 = tpu.memref_slice %arg9[%dma_start3A_125, %dma_start3A_126] : memref<6250x64xf32, #tpu.memory_space<vmem_shared>> -> memref<50x64xf32, #tpu.memory_space<vmem_shared>>
        tpu.enqueue_dma source(%dma_start3A_127 : memref<50x64xf32, #tpu.memory_space<vmem_shared>>) target(%dma_start3A_124 : memref<50x64xf32, #tpu.memory_space<vmem>>) target_semaphore(%run_scoped3A : memref<!tpu.dma_semaphore, #tpu.memory_space<semaphore_mem>>)
        %dma_wait3A = arith.constant 0 : i32
        %dma_wait3A_128 = arith.constant 0 : i32
        %dma_wait3A_129 = tpu.memref_slice %arg5[%dma_wait3A, %dma_wait3A_128] : memref<200x64xf32, #tpu.memory_space<vmem>> -> memref<50x64xf32, #tpu.memory_space<vmem>>
        %dma_wait3A_130 = arith.constant 6200 : i32
        %dma_wait3A_131 = arith.constant 0 : i32
        %dma_wait3A_132 = tpu.memref_slice %arg9[%dma_wait3A_130, %dma_wait3A_131] : memref<6250x64xf32, #tpu.memory_space<vmem_shared>> -> memref<50x64xf32, #tpu.memory_space<vmem_shared>>
        %dma_wait3A_133 = arith.constant 0 : i32
        %dma_wait3A_134 = arith.constant 0 : i32
        %dma_wait3A_135 = tpu.memref_slice %arg5[%dma_wait3A_133, %dma_wait3A_134] : memref<200x64xf32, #tpu.memory_space<vmem>> -> memref<50x64xf32, #tpu.memory_space<vmem>>
        %dma_wait3A_136 = arith.constant 6200 : i32
        %dma_wait3A_137 = arith.constant 0 : i32
        %dma_wait3A_138 = tpu.memref_slice %arg9[%dma_wait3A_136, %dma_wait3A_137] : memref<6250x64xf32, #tpu.memory_space<vmem_shared>> -> memref<50x64xf32, #tpu.memory_space<vmem_shared>>
        tpu.wait_dma2 semaphore(%run_scoped3A : memref<!tpu.dma_semaphore, #tpu.memory_space<semaphore_mem>>) src(%dma_wait3A_138 : memref<50x64xf32, #tpu.memory_space<vmem_shared>>) dst(%dma_wait3A_135 : memref<50x64xf32, #tpu.memory_space<vmem>>)
        tpu.yield
      }) : () -> ()
      "tpu.region"() ({
        %run_scoped3A = tpu.sem_alloc : memref<!tpu.dma_semaphore, #tpu.memory_space<semaphore_mem>>
        %dma_start3A = arith.constant 0 : i32
        %dma_start3A_117 = arith.constant 0 : i32
        %dma_start3A_118 = tpu.memref_slice %arg5[%dma_start3A, %dma_start3A_117] : memref<200x64xf32, #tpu.memory_space<vmem>> -> memref<50x64xf32, #tpu.memory_space<vmem>>
        %dma_start3A_119 = arith.constant 6200 : i32
        %dma_start3A_120 = tpu.memref_slice %arg4[%dma_start3A_119, %mul3A_0] : memref<6250x128xf32, #tpu.memory_space<hbm>> -> memref<50x64xf32, #tpu.memory_space<hbm>>
        %dma_start3A_121 = arith.constant 6200 : i32
        %dma_start3A_122 = tpu.memref_slice %arg4[%dma_start3A_121, %mul3A_0] : memref<6250x128xf32, #tpu.memory_space<hbm>> -> memref<50x64xf32, #tpu.memory_space<hbm>>
        %dma_start3A_123 = arith.constant 0 : i32
        %dma_start3A_124 = arith.constant 0 : i32
        %dma_start3A_125 = tpu.memref_slice %arg5[%dma_start3A_123, %dma_start3A_124] : memref<200x64xf32, #tpu.memory_space<vmem>> -> memref<50x64xf32, #tpu.memory_space<vmem>>
        tpu.enqueue_dma source(%dma_start3A_125 : memref<50x64xf32, #tpu.memory_space<vmem>>) target(%dma_start3A_122 : memref<50x64xf32, #tpu.memory_space<hbm>>) target_semaphore(%run_scoped3A : memref<!tpu.dma_semaphore, #tpu.memory_space<semaphore_mem>>)
        %dma_wait3A = arith.constant 0 : i32
        %dma_wait3A_126 = arith.constant 0 : i32
        %dma_wait3A_127 = tpu.memref_slice %arg5[%dma_wait3A, %dma_wait3A_126] : memref<200x64xf32, #tpu.memory_space<vmem>> -> memref<50x64xf32, #tpu.memory_space<vmem>>
        %dma_wait3A_128 = arith.constant 6200 : i32
        %dma_wait3A_129 = tpu.memref_slice %arg4[%dma_wait3A_128, %mul3A_0] : memref<6250x128xf32, #tpu.memory_space<hbm>> -> memref<50x64xf32, #tpu.memory_space<hbm>>
        %dma_wait3A_130 = arith.constant 6200 : i32
        %dma_wait3A_131 = tpu.memref_slice %arg4[%dma_wait3A_130, %mul3A_0] : memref<6250x128xf32, #tpu.memory_space<hbm>> -> memref<50x64xf32, #tpu.memory_space<hbm>>
        %dma_wait3A_132 = arith.constant 0 : i32
        %dma_wait3A_133 = arith.constant 0 : i32
        %dma_wait3A_134 = tpu.memref_slice %arg5[%dma_wait3A_132, %dma_wait3A_133] : memref<200x64xf32, #tpu.memory_space<vmem>> -> memref<50x64xf32, #tpu.memory_space<vmem>>
        tpu.wait_dma2 semaphore(%run_scoped3A : memref<!tpu.dma_semaphore, #tpu.memory_space<semaphore_mem>>) src(%dma_wait3A_134 : memref<50x64xf32, #tpu.memory_space<vmem>>) dst(%dma_wait3A_131 : memref<50x64xf32, #tpu.memory_space<hbm>>)
        tpu.yield
      }) : () -> ()
    } else {
    }
    return
  }
}

#map = affine_map<(d0, d1) -> (0, 0)>
#map1 = affine_map<(d0, d1) -> (0)>
module attributes {stable_mosaic.version = 14 : i64} {
  func.func @scat(%arg0: i32, %arg1: i32, %arg2: memref<100000x128xf32, #tpu.memory_space<hbm>>, %arg3: memref<100000xi32, #tpu.memory_space<hbm>>, %arg4: memref<25000x128xf32, #tpu.memory_space<hbm>>, %arg5: memref<200x64xf32, #tpu.memory_space<vmem>>, %arg6: memref<200x64xf32, #tpu.memory_space<vmem>>, %arg7: memref<200xi32, #tpu.memory_space<vmem>>, %arg8: memref<200xi32, #tpu.memory_space<vmem>>, %arg9: memref<25000x64xf32, #tpu.memory_space<vmem_shared>>, %arg10: memref<!tpu.dma_semaphore, #tpu.memory_space<semaphore_mem>>, %arg11: memref<!tpu.dma_semaphore, #tpu.memory_space<semaphore_mem>>, %arg12: memref<!tpu.dma_semaphore, #tpu.memory_space<semaphore_mem>>) attributes {dimension_semantics = [#tpu.dimension_semantics<core_parallel>, #tpu.dimension_semantics<subcore_parallel>], iteration_bounds = array<i64: 2, 16>, scalar_prefetch = 0 : i64, scratch_operands = 8 : i64, tpu.core_type = #tpu.core_type<sc_vector_subcore>, window_params = [{transform_indices = #map}, {transform_indices = #map1}, {transform_indices = #map}]} {
    %mul3A = arith.constant 64 : i32
    %mul3A_0 = arith.muli %arg0, %mul3A : i32
    %broadcast_in_dim3A = arith.constant 0.000000e+00 : f32
    %broadcast_in_dim3A_1 = vector.broadcast %broadcast_in_dim3A : f32 to vector<16xf32>
    %scan3A = arith.constant 0 : i32
    %scan3A_2 = arith.constant 0 : i32
    %scan3A_3 = arith.constant 200 : i32
    %scan3A_4 = arith.addi %scan3A_2, %scan3A_3 : i32
    %scan3A_5 = arith.constant 1 : i32
    %scan3A_6 = scf.for %scan3A_84 = %scan3A_2 to %scan3A_4 step %scan3A_5 iter_args(%scan3A_85 = %scan3A) -> (i32)  : i32 {
      %swap3A = arith.index_cast %scan3A_84 : i32 to index
      %swap3A_86 = arith.constant 0 : index
      %swap3A_87 = tpu.vector_load %arg5[%swap3A, %swap3A_86] {strides = array<i32>} : memref<200x64xf32, #tpu.memory_space<vmem>>, vector<1x16xf32>,
      %swap3A_88 = vector.shape_cast %swap3A_87 : vector<1x16xf32> to vector<16xf32>
      %swap3A_89 = vector.shape_cast %broadcast_in_dim3A_1 : vector<16xf32> to vector<1x16xf32>
      tpu.vector_store %arg5[%swap3A, %swap3A_86], %swap3A_89 {strides = array<i32>} : memref<200x64xf32, #tpu.memory_space<vmem>>, vector<1x16xf32>,
      %swap3A_90 = arith.index_cast %scan3A_84 : i32 to index
      %swap3A_91 = arith.constant 16 : index
      %swap3A_92 = tpu.vector_load %arg5[%swap3A_90, %swap3A_91] {strides = array<i32>} : memref<200x64xf32, #tpu.memory_space<vmem>>, vector<1x16xf32>,
      %swap3A_93 = vector.shape_cast %swap3A_92 : vector<1x16xf32> to vector<16xf32>
      %swap3A_94 = vector.shape_cast %broadcast_in_dim3A_1 : vector<16xf32> to vector<1x16xf32>
      tpu.vector_store %arg5[%swap3A_90, %swap3A_91], %swap3A_94 {strides = array<i32>} : memref<200x64xf32, #tpu.memory_space<vmem>>, vector<1x16xf32>,
      %swap3A_95 = arith.index_cast %scan3A_84 : i32 to index
      %swap3A_96 = arith.constant 32 : index
      %swap3A_97 = tpu.vector_load %arg5[%swap3A_95, %swap3A_96] {strides = array<i32>} : memref<200x64xf32, #tpu.memory_space<vmem>>, vector<1x16xf32>,
      %swap3A_98 = vector.shape_cast %swap3A_97 : vector<1x16xf32> to vector<16xf32>
      %swap3A_99 = vector.shape_cast %broadcast_in_dim3A_1 : vector<16xf32> to vector<1x16xf32>
      tpu.vector_store %arg5[%swap3A_95, %swap3A_96], %swap3A_99 {strides = array<i32>} : memref<200x64xf32, #tpu.memory_space<vmem>>, vector<1x16xf32>,
      %swap3A_100 = arith.index_cast %scan3A_84 : i32 to index
      %swap3A_101 = arith.constant 48 : index
      %swap3A_102 = tpu.vector_load %arg5[%swap3A_100, %swap3A_101] {strides = array<i32>} : memref<200x64xf32, #tpu.memory_space<vmem>>, vector<1x16xf32>,
      %swap3A_103 = vector.shape_cast %swap3A_102 : vector<1x16xf32> to vector<16xf32>
      %swap3A_104 = vector.shape_cast %broadcast_in_dim3A_1 : vector<16xf32> to vector<1x16xf32>
      tpu.vector_store %arg5[%swap3A_100, %swap3A_101], %swap3A_104 {strides = array<i32>} : memref<200x64xf32, #tpu.memory_space<vmem>>, vector<1x16xf32>,
      %scan3A_105 = arith.constant 0 : i32
      scf.yield %scan3A_105 : i32
    }
    %scan3A_7 = arith.constant 200 : i32
    %scan3A_8 = arith.constant 0 : i32
    %scan3A_9 = arith.constant 0 : i32
    %scan3A_10 = arith.constant 8 : i32
    %scan3A_11 = arith.addi %scan3A_9, %scan3A_10 : i32
    %scan3A_12 = arith.constant 1 : i32
    %scan3A_13 = scf.for %scan3A_84 = %scan3A_9 to %scan3A_11 step %scan3A_12 iter_args(%scan3A_85 = %scan3A_8) -> (i32)  : i32 {
      %mul3A_86 = arith.constant 16 : i32
      %mul3A_87 = arith.muli %scan3A_84, %mul3A_86 : i32
      %add3A_88 = arith.addi %arg1, %mul3A_87 : i32
      %lt3A_89 = arith.constant 125 : i32
      %lt3A_90 = arith.cmpi slt, %add3A_88, %lt3A_89 : i32
      %convert_element_type3A_91 = arith.extui %lt3A_90 : i1 to i32
      %cond3A_92 = arith.constant 0 : i32
      %cond3A_93 = arith.cmpi ne, %convert_element_type3A_91, %cond3A_92 : i32
      scf.if %cond3A_93 {
        %mul3A_95 = arith.constant 200 : i32
        %mul3A_96 = arith.muli %add3A_88, %mul3A_95 : i32
        %dma_start3A = arith.constant 0 : i32
        %dma_start3A_97 = arith.constant 0 : i32
        %dma_start3A_98 = tpu.memref_slice %arg5[%dma_start3A, %dma_start3A_97] : memref<200x64xf32, #tpu.memory_space<vmem>> -> memref<200x64xf32, #tpu.memory_space<vmem>>
        %dma_start3A_99 = arith.constant 0 : i32
        %dma_start3A_100 = tpu.memref_slice %arg9[%mul3A_96, %dma_start3A_99] : memref<25000x64xf32, #tpu.memory_space<vmem_shared>> -> memref<200x64xf32, #tpu.memory_space<vmem_shared>>
        %dma_start3A_101 = arith.constant 0 : i32
        %dma_start3A_102 = tpu.memref_slice %arg9[%mul3A_96, %dma_start3A_101] : memref<25000x64xf32, #tpu.memory_space<vmem_shared>> -> memref<200x64xf32, #tpu.memory_space<vmem_shared>>
        %dma_start3A_103 = arith.constant 0 : i32
        %dma_start3A_104 = arith.constant 0 : i32
        %dma_start3A_105 = tpu.memref_slice %arg5[%dma_start3A_103, %dma_start3A_104] : memref<200x64xf32, #tpu.memory_space<vmem>> -> memref<200x64xf32, #tpu.memory_space<vmem>>
        tpu.enqueue_dma source(%dma_start3A_105 : memref<200x64xf32, #tpu.memory_space<vmem>>) target(%dma_start3A_102 : memref<200x64xf32, #tpu.memory_space<vmem_shared>>) target_semaphore(%arg12 : memref<!tpu.dma_semaphore, #tpu.memory_space<semaphore_mem>>)
      } else {
      }
      %scan3A_94 = arith.constant 0 : i32
      scf.yield %scan3A_94 : i32
    }
    %scan3A_14 = arith.constant 8 : i32
    %scan3A_15 = arith.constant 0 : i32
    %scan3A_16 = arith.constant 0 : i32
    %scan3A_17 = arith.constant 8 : i32
    %scan3A_18 = arith.addi %scan3A_16, %scan3A_17 : i32
    %scan3A_19 = arith.constant 1 : i32
    %scan3A_20 = scf.for %scan3A_84 = %scan3A_16 to %scan3A_18 step %scan3A_19 iter_args(%scan3A_85 = %scan3A_15) -> (i32)  : i32 {
      %mul3A_86 = arith.constant 16 : i32
      %mul3A_87 = arith.muli %scan3A_84, %mul3A_86 : i32
      %add3A_88 = arith.addi %arg1, %mul3A_87 : i32
      %lt3A_89 = arith.constant 125 : i32
      %lt3A_90 = arith.cmpi slt, %add3A_88, %lt3A_89 : i32
      %convert_element_type3A_91 = arith.extui %lt3A_90 : i1 to i32
      %cond3A_92 = arith.constant 0 : i32
      %cond3A_93 = arith.cmpi ne, %convert_element_type3A_91, %cond3A_92 : i32
      scf.if %cond3A_93 {
        %mul3A_95 = arith.constant 200 : i32
        %mul3A_96 = arith.muli %add3A_88, %mul3A_95 : i32
        %dma_wait3A = arith.constant 0 : i32
        %dma_wait3A_97 = arith.constant 0 : i32
        %dma_wait3A_98 = tpu.memref_slice %arg5[%dma_wait3A, %dma_wait3A_97] : memref<200x64xf32, #tpu.memory_space<vmem>> -> memref<200x64xf32, #tpu.memory_space<vmem>>
        %dma_wait3A_99 = arith.constant 0 : i32
        %dma_wait3A_100 = tpu.memref_slice %arg9[%mul3A_96, %dma_wait3A_99] : memref<25000x64xf32, #tpu.memory_space<vmem_shared>> -> memref<200x64xf32, #tpu.memory_space<vmem_shared>>
        %dma_wait3A_101 = arith.constant 0 : i32
        %dma_wait3A_102 = tpu.memref_slice %arg9[%mul3A_96, %dma_wait3A_101] : memref<25000x64xf32, #tpu.memory_space<vmem_shared>> -> memref<200x64xf32, #tpu.memory_space<vmem_shared>>
        %dma_wait3A_103 = arith.constant 0 : i32
        %dma_wait3A_104 = arith.constant 0 : i32
        %dma_wait3A_105 = tpu.memref_slice %arg5[%dma_wait3A_103, %dma_wait3A_104] : memref<200x64xf32, #tpu.memory_space<vmem>> -> memref<200x64xf32, #tpu.memory_space<vmem>>
        tpu.wait_dma2 semaphore(%arg12 : memref<!tpu.dma_semaphore, #tpu.memory_space<semaphore_mem>>) src(%dma_wait3A_105 : memref<200x64xf32, #tpu.memory_space<vmem>>) dst(%dma_wait3A_102 : memref<200x64xf32, #tpu.memory_space<vmem_shared>>)
      } else {
      }
      %scan3A_94 = arith.constant 0 : i32
      scf.yield %scan3A_94 : i32
    }
    %scan3A_21 = arith.constant 8 : i32
    %add3A = arith.constant 0 : i32
    %add3A_22 = arith.addi %arg1, %add3A : i32
    %lt3A = arith.constant 500 : i32
    %lt3A_23 = arith.cmpi slt, %add3A_22, %lt3A : i32
    %convert_element_type3A = arith.extui %lt3A_23 : i1 to i32
    %cond3A = arith.constant 0 : i32
    %cond3A_24 = arith.cmpi ne, %convert_element_type3A, %cond3A : i32
    scf.if %cond3A_24 {
      %mul3A_84 = arith.constant 200 : i32
      %mul3A_85 = arith.muli %add3A_22, %mul3A_84 : i32
      %dma_start3A = tpu.memref_slice %arg3[%mul3A_85] : memref<100000xi32, #tpu.memory_space<hbm>> -> memref<200xi32, #tpu.memory_space<hbm>>
      %dma_start3A_86 = tpu.memref_slice %arg3[%mul3A_85] : memref<100000xi32, #tpu.memory_space<hbm>> -> memref<200xi32, #tpu.memory_space<hbm>>
      tpu.enqueue_dma source(%dma_start3A_86 : memref<200xi32, #tpu.memory_space<hbm>>) target(%arg7 : memref<200xi32, #tpu.memory_space<vmem>>) target_semaphore(%arg10 : memref<!tpu.dma_semaphore, #tpu.memory_space<semaphore_mem>>)
      %dma_start3A_87 = tpu.memref_slice %arg2[%mul3A_85, %mul3A_0] : memref<100000x128xf32, #tpu.memory_space<hbm>> -> memref<200x64xf32, #tpu.memory_space<hbm>>
      %dma_start3A_88 = tpu.memref_slice %arg2[%mul3A_85, %mul3A_0] : memref<100000x128xf32, #tpu.memory_space<hbm>> -> memref<200x64xf32, #tpu.memory_space<hbm>>
      tpu.enqueue_dma source(%dma_start3A_88 : memref<200x64xf32, #tpu.memory_space<hbm>>) target(%arg5 : memref<200x64xf32, #tpu.memory_space<vmem>>) target_semaphore(%arg10 : memref<!tpu.dma_semaphore, #tpu.memory_space<semaphore_mem>>)
    } else {
    }
    %add3A_25 = arith.constant 16 : i32
    %add3A_26 = arith.addi %arg1, %add3A_25 : i32
    %lt3A_27 = arith.constant 500 : i32
    %lt3A_28 = arith.cmpi slt, %add3A_26, %lt3A_27 : i32
    %convert_element_type3A_29 = arith.extui %lt3A_28 : i1 to i32
    %cond3A_30 = arith.constant 0 : i32
    %cond3A_31 = arith.cmpi ne, %convert_element_type3A_29, %cond3A_30 : i32
    scf.if %cond3A_31 {
      %mul3A_84 = arith.constant 200 : i32
      %mul3A_85 = arith.muli %add3A_26, %mul3A_84 : i32
      %dma_start3A = tpu.memref_slice %arg3[%mul3A_85] : memref<100000xi32, #tpu.memory_space<hbm>> -> memref<200xi32, #tpu.memory_space<hbm>>
      %dma_start3A_86 = tpu.memref_slice %arg3[%mul3A_85] : memref<100000xi32, #tpu.memory_space<hbm>> -> memref<200xi32, #tpu.memory_space<hbm>>
      tpu.enqueue_dma source(%dma_start3A_86 : memref<200xi32, #tpu.memory_space<hbm>>) target(%arg8 : memref<200xi32, #tpu.memory_space<vmem>>) target_semaphore(%arg11 : memref<!tpu.dma_semaphore, #tpu.memory_space<semaphore_mem>>)
      %dma_start3A_87 = tpu.memref_slice %arg2[%mul3A_85, %mul3A_0] : memref<100000x128xf32, #tpu.memory_space<hbm>> -> memref<200x64xf32, #tpu.memory_space<hbm>>
      %dma_start3A_88 = tpu.memref_slice %arg2[%mul3A_85, %mul3A_0] : memref<100000x128xf32, #tpu.memory_space<hbm>> -> memref<200x64xf32, #tpu.memory_space<hbm>>
      tpu.enqueue_dma source(%dma_start3A_88 : memref<200x64xf32, #tpu.memory_space<hbm>>) target(%arg6 : memref<200x64xf32, #tpu.memory_space<vmem>>) target_semaphore(%arg11 : memref<!tpu.dma_semaphore, #tpu.memory_space<semaphore_mem>>)
    } else {
    }
    %barrier3A = arith.constant 0 : index
    tpu.barrier barrier_id(%barrier3A)
    %scan3A_32 = arith.constant 0 : i32
    %scan3A_33 = arith.constant 0 : i32
    %scan3A_34 = arith.constant 16 : i32
    %scan3A_35 = arith.addi %scan3A_33, %scan3A_34 : i32
    %scan3A_36 = arith.constant 1 : i32
    %scan3A_37 = scf.for %scan3A_84 = %scan3A_33 to %scan3A_35 step %scan3A_36 iter_args(%scan3A_85 = %scan3A_32) -> (i32)  : i32 {
      %mul3A_86 = arith.constant 2 : i32
      %mul3A_87 = arith.muli %mul3A_86, %scan3A_84 : i32
      %mul3A_88 = arith.constant 16 : i32
      %mul3A_89 = arith.muli %mul3A_87, %mul3A_88 : i32
      %add3A_90 = arith.addi %arg1, %mul3A_89 : i32
      %lt3A_91 = arith.constant 500 : i32
      %lt3A_92 = arith.cmpi slt, %add3A_90, %lt3A_91 : i32
      %convert_element_type3A_93 = arith.extui %lt3A_92 : i1 to i32
      %cond3A_94 = arith.constant 0 : i32
      %cond3A_95 = arith.cmpi ne, %convert_element_type3A_93, %cond3A_94 : i32
      scf.if %cond3A_95 {
        %mul3A_133 = arith.constant 200 : i32
        %mul3A_134 = arith.muli %add3A_90, %mul3A_133 : i32
        %dma_wait3A = tpu.memref_slice %arg3[%mul3A_134] : memref<100000xi32, #tpu.memory_space<hbm>> -> memref<200xi32, #tpu.memory_space<hbm>>
        %dma_wait3A_135 = tpu.memref_slice %arg3[%mul3A_134] : memref<100000xi32, #tpu.memory_space<hbm>> -> memref<200xi32, #tpu.memory_space<hbm>>
        tpu.wait_dma2 semaphore(%arg10 : memref<!tpu.dma_semaphore, #tpu.memory_space<semaphore_mem>>) src(%dma_wait3A_135 : memref<200xi32, #tpu.memory_space<hbm>>) dst(%arg7 : memref<200xi32, #tpu.memory_space<vmem>>)
        %dma_wait3A_136 = tpu.memref_slice %arg2[%mul3A_134, %mul3A_0] : memref<100000x128xf32, #tpu.memory_space<hbm>> -> memref<200x64xf32, #tpu.memory_space<hbm>>
        %dma_wait3A_137 = tpu.memref_slice %arg2[%mul3A_134, %mul3A_0] : memref<100000x128xf32, #tpu.memory_space<hbm>> -> memref<200x64xf32, #tpu.memory_space<hbm>>
        tpu.wait_dma2 semaphore(%arg10 : memref<!tpu.dma_semaphore, #tpu.memory_space<semaphore_mem>>) src(%dma_wait3A_137 : memref<200x64xf32, #tpu.memory_space<hbm>>) dst(%arg5 : memref<200x64xf32, #tpu.memory_space<vmem>>)
        "tpu.region"() ({
          %run_scoped3A = tpu.sem_alloc : memref<!tpu.dma_semaphore, #tpu.memory_space<semaphore_mem>>
          %dma_start3A = arith.constant 0 : i32
          %dma_start3A_138 = arith.constant 0 : i32
          %dma_start3A_139 = tpu.memref_slice %arg9[%dma_start3A, %dma_start3A_138] : memref<25000x64xf32, #tpu.memory_space<vmem_shared>> -> memref<25000x64xf32, #tpu.memory_space<vmem_shared>>
          tpu.enqueue_indirect_dma source(%arg5 : memref<200x64xf32, #tpu.memory_space<vmem>>) target(%dma_start3A_139 : memref<25000x64xf32, #tpu.memory_space<vmem_shared>>) offsets(%arg7 : memref<200xi32, #tpu.memory_space<vmem>>) semaphore(%run_scoped3A : memref<!tpu.dma_semaphore, #tpu.memory_space<semaphore_mem>>) {add = true}
          %dma_wait3A_140 = arith.constant 0 : i32
          %dma_wait3A_141 = arith.constant 0 : i32
          %dma_wait3A_142 = tpu.memref_slice %arg9[%dma_wait3A_140, %dma_wait3A_141] : memref<25000x64xf32, #tpu.memory_space<vmem_shared>> -> memref<25000x64xf32, #tpu.memory_space<vmem_shared>>
          tpu.wait_indirect_dma semaphore(%run_scoped3A : memref<!tpu.dma_semaphore, #tpu.memory_space<semaphore_mem>>) src(%arg5 : memref<200x64xf32, #tpu.memory_space<vmem>>) dst(%dma_wait3A_142 : memref<25000x64xf32, #tpu.memory_space<vmem_shared>>)
          tpu.yield
        }) : () -> ()
      } else {
      }
      %mul3A_96 = arith.constant 2 : i32
      %mul3A_97 = arith.muli %mul3A_96, %scan3A_84 : i32
      %add3A_98 = arith.constant 2 : i32
      %add3A_99 = arith.addi %mul3A_97, %add3A_98 : i32
      %mul3A_100 = arith.constant 16 : i32
      %mul3A_101 = arith.muli %add3A_99, %mul3A_100 : i32
      %add3A_102 = arith.addi %arg1, %mul3A_101 : i32
      %lt3A_103 = arith.constant 500 : i32
      %lt3A_104 = arith.cmpi slt, %add3A_102, %lt3A_103 : i32
      %convert_element_type3A_105 = arith.extui %lt3A_104 : i1 to i32
      %cond3A_106 = arith.constant 0 : i32
      %cond3A_107 = arith.cmpi ne, %convert_element_type3A_105, %cond3A_106 : i32
      scf.if %cond3A_107 {
        %mul3A_133 = arith.constant 200 : i32
        %mul3A_134 = arith.muli %add3A_102, %mul3A_133 : i32
        %dma_start3A = tpu.memref_slice %arg3[%mul3A_134] : memref<100000xi32, #tpu.memory_space<hbm>> -> memref<200xi32, #tpu.memory_space<hbm>>
        %dma_start3A_135 = tpu.memref_slice %arg3[%mul3A_134] : memref<100000xi32, #tpu.memory_space<hbm>> -> memref<200xi32, #tpu.memory_space<hbm>>
        tpu.enqueue_dma source(%dma_start3A_135 : memref<200xi32, #tpu.memory_space<hbm>>) target(%arg7 : memref<200xi32, #tpu.memory_space<vmem>>) target_semaphore(%arg10 : memref<!tpu.dma_semaphore, #tpu.memory_space<semaphore_mem>>)
        %dma_start3A_136 = tpu.memref_slice %arg2[%mul3A_134, %mul3A_0] : memref<100000x128xf32, #tpu.memory_space<hbm>> -> memref<200x64xf32, #tpu.memory_space<hbm>>
        %dma_start3A_137 = tpu.memref_slice %arg2[%mul3A_134, %mul3A_0] : memref<100000x128xf32, #tpu.memory_space<hbm>> -> memref<200x64xf32, #tpu.memory_space<hbm>>
        tpu.enqueue_dma source(%dma_start3A_137 : memref<200x64xf32, #tpu.memory_space<hbm>>) target(%arg5 : memref<200x64xf32, #tpu.memory_space<vmem>>) target_semaphore(%arg10 : memref<!tpu.dma_semaphore, #tpu.memory_space<semaphore_mem>>)
      } else {
      }
      %mul3A_108 = arith.constant 2 : i32
      %mul3A_109 = arith.muli %mul3A_108, %scan3A_84 : i32
      %add3A_110 = arith.constant 1 : i32
      %add3A_111 = arith.addi %mul3A_109, %add3A_110 : i32
      %mul3A_112 = arith.constant 16 : i32
      %mul3A_113 = arith.muli %add3A_111, %mul3A_112 : i32
      %add3A_114 = arith.addi %arg1, %mul3A_113 : i32
      %lt3A_115 = arith.constant 500 : i32
      %lt3A_116 = arith.cmpi slt, %add3A_114, %lt3A_115 : i32
      %convert_element_type3A_117 = arith.extui %lt3A_116 : i1 to i32
      %cond3A_118 = arith.constant 0 : i32
      %cond3A_119 = arith.cmpi ne, %convert_element_type3A_117, %cond3A_118 : i32
      scf.if %cond3A_119 {
        %mul3A_133 = arith.constant 200 : i32
        %mul3A_134 = arith.muli %add3A_114, %mul3A_133 : i32
        %dma_wait3A = tpu.memref_slice %arg3[%mul3A_134] : memref<100000xi32, #tpu.memory_space<hbm>> -> memref<200xi32, #tpu.memory_space<hbm>>
        %dma_wait3A_135 = tpu.memref_slice %arg3[%mul3A_134] : memref<100000xi32, #tpu.memory_space<hbm>> -> memref<200xi32, #tpu.memory_space<hbm>>
        tpu.wait_dma2 semaphore(%arg11 : memref<!tpu.dma_semaphore, #tpu.memory_space<semaphore_mem>>) src(%dma_wait3A_135 : memref<200xi32, #tpu.memory_space<hbm>>) dst(%arg8 : memref<200xi32, #tpu.memory_space<vmem>>)
        %dma_wait3A_136 = tpu.memref_slice %arg2[%mul3A_134, %mul3A_0] : memref<100000x128xf32, #tpu.memory_space<hbm>> -> memref<200x64xf32, #tpu.memory_space<hbm>>
        %dma_wait3A_137 = tpu.memref_slice %arg2[%mul3A_134, %mul3A_0] : memref<100000x128xf32, #tpu.memory_space<hbm>> -> memref<200x64xf32, #tpu.memory_space<hbm>>
        tpu.wait_dma2 semaphore(%arg11 : memref<!tpu.dma_semaphore, #tpu.memory_space<semaphore_mem>>) src(%dma_wait3A_137 : memref<200x64xf32, #tpu.memory_space<hbm>>) dst(%arg6 : memref<200x64xf32, #tpu.memory_space<vmem>>)
        "tpu.region"() ({
          %run_scoped3A = tpu.sem_alloc : memref<!tpu.dma_semaphore, #tpu.memory_space<semaphore_mem>>
          %dma_start3A = arith.constant 0 : i32
          %dma_start3A_138 = arith.constant 0 : i32
          %dma_start3A_139 = tpu.memref_slice %arg9[%dma_start3A, %dma_start3A_138] : memref<25000x64xf32, #tpu.memory_space<vmem_shared>> -> memref<25000x64xf32, #tpu.memory_space<vmem_shared>>
          tpu.enqueue_indirect_dma source(%arg6 : memref<200x64xf32, #tpu.memory_space<vmem>>) target(%dma_start3A_139 : memref<25000x64xf32, #tpu.memory_space<vmem_shared>>) offsets(%arg8 : memref<200xi32, #tpu.memory_space<vmem>>) semaphore(%run_scoped3A : memref<!tpu.dma_semaphore, #tpu.memory_space<semaphore_mem>>) {add = true}
          %dma_wait3A_140 = arith.constant 0 : i32
          %dma_wait3A_141 = arith.constant 0 : i32
          %dma_wait3A_142 = tpu.memref_slice %arg9[%dma_wait3A_140, %dma_wait3A_141] : memref<25000x64xf32, #tpu.memory_space<vmem_shared>> -> memref<25000x64xf32, #tpu.memory_space<vmem_shared>>
          tpu.wait_indirect_dma semaphore(%run_scoped3A : memref<!tpu.dma_semaphore, #tpu.memory_space<semaphore_mem>>) src(%arg6 : memref<200x64xf32, #tpu.memory_space<vmem>>) dst(%dma_wait3A_142 : memref<25000x64xf32, #tpu.memory_space<vmem_shared>>)
          tpu.yield
        }) : () -> ()
      } else {
      }
      %mul3A_120 = arith.constant 2 : i32
      %mul3A_121 = arith.muli %mul3A_120, %scan3A_84 : i32
      %add3A_122 = arith.constant 3 : i32
      %add3A_123 = arith.addi %mul3A_121, %add3A_122 : i32
      %mul3A_124 = arith.constant 16 : i32
      %mul3A_125 = arith.muli %add3A_123, %mul3A_124 : i32
      %add3A_126 = arith.addi %arg1, %mul3A_125 : i32
      %lt3A_127 = arith.constant 500 : i32
      %lt3A_128 = arith.cmpi slt, %add3A_126, %lt3A_127 : i32
      %convert_element_type3A_129 = arith.extui %lt3A_128 : i1 to i32
      %cond3A_130 = arith.constant 0 : i32
      %cond3A_131 = arith.cmpi ne, %convert_element_type3A_129, %cond3A_130 : i32
      scf.if %cond3A_131 {
        %mul3A_133 = arith.constant 200 : i32
        %mul3A_134 = arith.muli %add3A_126, %mul3A_133 : i32
        %dma_start3A = tpu.memref_slice %arg3[%mul3A_134] : memref<100000xi32, #tpu.memory_space<hbm>> -> memref<200xi32, #tpu.memory_space<hbm>>
        %dma_start3A_135 = tpu.memref_slice %arg3[%mul3A_134] : memref<100000xi32, #tpu.memory_space<hbm>> -> memref<200xi32, #tpu.memory_space<hbm>>
        tpu.enqueue_dma source(%dma_start3A_135 : memref<200xi32, #tpu.memory_space<hbm>>) target(%arg8 : memref<200xi32, #tpu.memory_space<vmem>>) target_semaphore(%arg11 : memref<!tpu.dma_semaphore, #tpu.memory_space<semaphore_mem>>)
        %dma_start3A_136 = tpu.memref_slice %arg2[%mul3A_134, %mul3A_0] : memref<100000x128xf32, #tpu.memory_space<hbm>> -> memref<200x64xf32, #tpu.memory_space<hbm>>
        %dma_start3A_137 = tpu.memref_slice %arg2[%mul3A_134, %mul3A_0] : memref<100000x128xf32, #tpu.memory_space<hbm>> -> memref<200x64xf32, #tpu.memory_space<hbm>>
        tpu.enqueue_dma source(%dma_start3A_137 : memref<200x64xf32, #tpu.memory_space<hbm>>) target(%arg6 : memref<200x64xf32, #tpu.memory_space<vmem>>) target_semaphore(%arg11 : memref<!tpu.dma_semaphore, #tpu.memory_space<semaphore_mem>>)
      } else {
      }
      %scan3A_132 = arith.constant 0 : i32
      scf.yield %scan3A_132 : i32
    }
    %scan3A_38 = arith.constant 16 : i32
    %barrier3A_39 = arith.constant 0 : index
    tpu.barrier barrier_id(%barrier3A_39)
    %scan3A_40 = arith.constant 0 : i32
    %scan3A_41 = arith.constant 0 : i32
    %scan3A_42 = arith.constant 4 : i32
    %scan3A_43 = arith.addi %scan3A_41, %scan3A_42 : i32
    %scan3A_44 = arith.constant 1 : i32
    %scan3A_45 = scf.for %scan3A_84 = %scan3A_41 to %scan3A_43 step %scan3A_44 iter_args(%scan3A_85 = %scan3A_40) -> (i32)  : i32 {
      %mul3A_86 = arith.constant 2 : i32
      %mul3A_87 = arith.muli %mul3A_86, %scan3A_84 : i32
      %mul3A_88 = arith.constant 16 : i32
      %mul3A_89 = arith.muli %mul3A_87, %mul3A_88 : i32
      %add3A_90 = arith.addi %arg1, %mul3A_89 : i32
      %lt3A_91 = arith.constant 125 : i32
      %lt3A_92 = arith.cmpi slt, %add3A_90, %lt3A_91 : i32
      %convert_element_type3A_93 = arith.extui %lt3A_92 : i1 to i32
      %cond3A_94 = arith.constant 0 : i32
      %cond3A_95 = arith.cmpi ne, %convert_element_type3A_93, %cond3A_94 : i32
      scf.if %cond3A_95 {
        %ge3A_109 = arith.constant 2 : i32
        %ge3A_110 = arith.cmpi sge, %mul3A_87, %ge3A_109 : i32
        %convert_element_type3A_111 = arith.extui %ge3A_110 : i1 to i32
        %cond3A_112 = arith.constant 0 : i32
        %cond3A_113 = arith.cmpi ne, %convert_element_type3A_111, %cond3A_112 : i32
        scf.if %cond3A_113 {
          %sub3A_119 = arith.constant 32 : i32
          %sub3A_120 = arith.subi %add3A_90, %sub3A_119 : i32
          %mul3A_121 = arith.constant 200 : i32
          %mul3A_122 = arith.muli %sub3A_120, %mul3A_121 : i32
          %dma_wait3A = tpu.memref_slice %arg4[%mul3A_122, %mul3A_0] : memref<25000x128xf32, #tpu.memory_space<hbm>> -> memref<200x64xf32, #tpu.memory_space<hbm>>
          %dma_wait3A_123 = tpu.memref_slice %arg4[%mul3A_122, %mul3A_0] : memref<25000x128xf32, #tpu.memory_space<hbm>> -> memref<200x64xf32, #tpu.memory_space<hbm>>
          tpu.wait_dma2 semaphore(%arg10 : memref<!tpu.dma_semaphore, #tpu.memory_space<semaphore_mem>>) src(%arg5 : memref<200x64xf32, #tpu.memory_space<vmem>>) dst(%dma_wait3A_123 : memref<200x64xf32, #tpu.memory_space<hbm>>)
        } else {
        }
        %mul3A_114 = arith.constant 200 : i32
        %mul3A_115 = arith.muli %add3A_90, %mul3A_114 : i32
        "tpu.region"() ({
          %run_scoped3A = tpu.sem_alloc : memref<!tpu.dma_semaphore, #tpu.memory_space<semaphore_mem>>
          %dma_start3A_119 = arith.constant 0 : i32
          %dma_start3A_120 = tpu.memref_slice %arg9[%mul3A_115, %dma_start3A_119] : memref<25000x64xf32, #tpu.memory_space<vmem_shared>> -> memref<200x64xf32, #tpu.memory_space<vmem_shared>>
          %dma_start3A_121 = arith.constant 0 : i32
          %dma_start3A_122 = tpu.memref_slice %arg9[%mul3A_115, %dma_start3A_121] : memref<25000x64xf32, #tpu.memory_space<vmem_shared>> -> memref<200x64xf32, #tpu.memory_space<vmem_shared>>
          tpu.enqueue_dma source(%dma_start3A_122 : memref<200x64xf32, #tpu.memory_space<vmem_shared>>) target(%arg5 : memref<200x64xf32, #tpu.memory_space<vmem>>) target_semaphore(%run_scoped3A : memref<!tpu.dma_semaphore, #tpu.memory_space<semaphore_mem>>)
          %dma_wait3A = arith.constant 0 : i32
          %dma_wait3A_123 = tpu.memref_slice %arg9[%mul3A_115, %dma_wait3A] : memref<25000x64xf32, #tpu.memory_space<vmem_shared>> -> memref<200x64xf32, #tpu.memory_space<vmem_shared>>
          %dma_wait3A_124 = arith.constant 0 : i32
          %dma_wait3A_125 = tpu.memref_slice %arg9[%mul3A_115, %dma_wait3A_124] : memref<25000x64xf32, #tpu.memory_space<vmem_shared>> -> memref<200x64xf32, #tpu.memory_space<vmem_shared>>
          tpu.wait_dma2 semaphore(%run_scoped3A : memref<!tpu.dma_semaphore, #tpu.memory_space<semaphore_mem>>) src(%dma_wait3A_125 : memref<200x64xf32, #tpu.memory_space<vmem_shared>>) dst(%arg5 : memref<200x64xf32, #tpu.memory_space<vmem>>)
          tpu.yield
        }) : () -> ()
        %mul3A_116 = arith.constant 200 : i32
        %mul3A_117 = arith.muli %add3A_90, %mul3A_116 : i32
        %dma_start3A = tpu.memref_slice %arg4[%mul3A_117, %mul3A_0] : memref<25000x128xf32, #tpu.memory_space<hbm>> -> memref<200x64xf32, #tpu.memory_space<hbm>>
        %dma_start3A_118 = tpu.memref_slice %arg4[%mul3A_117, %mul3A_0] : memref<25000x128xf32, #tpu.memory_space<hbm>> -> memref<200x64xf32, #tpu.memory_space<hbm>>
        tpu.enqueue_dma source(%arg5 : memref<200x64xf32, #tpu.memory_space<vmem>>) target(%dma_start3A_118 : memref<200x64xf32, #tpu.memory_space<hbm>>) target_semaphore(%arg10 : memref<!tpu.dma_semaphore, #tpu.memory_space<semaphore_mem>>)
      } else {
      }
      %mul3A_96 = arith.constant 2 : i32
      %mul3A_97 = arith.muli %mul3A_96, %scan3A_84 : i32
      %add3A_98 = arith.constant 1 : i32
      %add3A_99 = arith.addi %mul3A_97, %add3A_98 : i32
      %mul3A_100 = arith.constant 16 : i32
      %mul3A_101 = arith.muli %add3A_99, %mul3A_100 : i32
      %add3A_102 = arith.addi %arg1, %mul3A_101 : i32
      %lt3A_103 = arith.constant 125 : i32
      %lt3A_104 = arith.cmpi slt, %add3A_102, %lt3A_103 : i32
      %convert_element_type3A_105 = arith.extui %lt3A_104 : i1 to i32
      %cond3A_106 = arith.constant 0 : i32
      %cond3A_107 = arith.cmpi ne, %convert_element_type3A_105, %cond3A_106 : i32
      scf.if %cond3A_107 {
        %ge3A_109 = arith.constant 2 : i32
        %ge3A_110 = arith.cmpi sge, %add3A_99, %ge3A_109 : i32
        %convert_element_type3A_111 = arith.extui %ge3A_110 : i1 to i32
        %cond3A_112 = arith.constant 0 : i32
        %cond3A_113 = arith.cmpi ne, %convert_element_type3A_111, %cond3A_112 : i32
        scf.if %cond3A_113 {
          %sub3A_119 = arith.constant 32 : i32
          %sub3A_120 = arith.subi %add3A_102, %sub3A_119 : i32
          %mul3A_121 = arith.constant 200 : i32
          %mul3A_122 = arith.muli %sub3A_120, %mul3A_121 : i32
          %dma_wait3A = tpu.memref_slice %arg4[%mul3A_122, %mul3A_0] : memref<25000x128xf32, #tpu.memory_space<hbm>> -> memref<200x64xf32, #tpu.memory_space<hbm>>
          %dma_wait3A_123 = tpu.memref_slice %arg4[%mul3A_122, %mul3A_0] : memref<25000x128xf32, #tpu.memory_space<hbm>> -> memref<200x64xf32, #tpu.memory_space<hbm>>
          tpu.wait_dma2 semaphore(%arg11 : memref<!tpu.dma_semaphore, #tpu.memory_space<semaphore_mem>>) src(%arg6 : memref<200x64xf32, #tpu.memory_space<vmem>>) dst(%dma_wait3A_123 : memref<200x64xf32, #tpu.memory_space<hbm>>)
        } else {
        }
        %mul3A_114 = arith.constant 200 : i32
        %mul3A_115 = arith.muli %add3A_102, %mul3A_114 : i32
        "tpu.region"() ({
          %run_scoped3A = tpu.sem_alloc : memref<!tpu.dma_semaphore, #tpu.memory_space<semaphore_mem>>
          %dma_start3A_119 = arith.constant 0 : i32
          %dma_start3A_120 = tpu.memref_slice %arg9[%mul3A_115, %dma_start3A_119] : memref<25000x64xf32, #tpu.memory_space<vmem_shared>> -> memref<200x64xf32, #tpu.memory_space<vmem_shared>>
          %dma_start3A_121 = arith.constant 0 : i32
          %dma_start3A_122 = tpu.memref_slice %arg9[%mul3A_115, %dma_start3A_121] : memref<25000x64xf32, #tpu.memory_space<vmem_shared>> -> memref<200x64xf32, #tpu.memory_space<vmem_shared>>
          tpu.enqueue_dma source(%dma_start3A_122 : memref<200x64xf32, #tpu.memory_space<vmem_shared>>) target(%arg6 : memref<200x64xf32, #tpu.memory_space<vmem>>) target_semaphore(%run_scoped3A : memref<!tpu.dma_semaphore, #tpu.memory_space<semaphore_mem>>)
          %dma_wait3A = arith.constant 0 : i32
          %dma_wait3A_123 = tpu.memref_slice %arg9[%mul3A_115, %dma_wait3A] : memref<25000x64xf32, #tpu.memory_space<vmem_shared>> -> memref<200x64xf32, #tpu.memory_space<vmem_shared>>
          %dma_wait3A_124 = arith.constant 0 : i32
          %dma_wait3A_125 = tpu.memref_slice %arg9[%mul3A_115, %dma_wait3A_124] : memref<25000x64xf32, #tpu.memory_space<vmem_shared>> -> memref<200x64xf32, #tpu.memory_space<vmem_shared>>
          tpu.wait_dma2 semaphore(%run_scoped3A : memref<!tpu.dma_semaphore, #tpu.memory_space<semaphore_mem>>) src(%dma_wait3A_125 : memref<200x64xf32, #tpu.memory_space<vmem_shared>>) dst(%arg6 : memref<200x64xf32, #tpu.memory_space<vmem>>)
          tpu.yield
        }) : () -> ()
        %mul3A_116 = arith.constant 200 : i32
        %mul3A_117 = arith.muli %add3A_102, %mul3A_116 : i32
        %dma_start3A = tpu.memref_slice %arg4[%mul3A_117, %mul3A_0] : memref<25000x128xf32, #tpu.memory_space<hbm>> -> memref<200x64xf32, #tpu.memory_space<hbm>>
        %dma_start3A_118 = tpu.memref_slice %arg4[%mul3A_117, %mul3A_0] : memref<25000x128xf32, #tpu.memory_space<hbm>> -> memref<200x64xf32, #tpu.memory_space<hbm>>
        tpu.enqueue_dma source(%arg6 : memref<200x64xf32, #tpu.memory_space<vmem>>) target(%dma_start3A_118 : memref<200x64xf32, #tpu.memory_space<hbm>>) target_semaphore(%arg11 : memref<!tpu.dma_semaphore, #tpu.memory_space<semaphore_mem>>)
      } else {
      }
      %scan3A_108 = arith.constant 0 : i32
      scf.yield %scan3A_108 : i32
    }
    %scan3A_46 = arith.constant 4 : i32
    %sub3A = arith.constant 124 : i32
    %sub3A_47 = arith.subi %sub3A, %arg1 : i32
    %jit3A = arith.constant 16 : i32
    %div3A = arith.divsi %sub3A_47, %jit3A : i32
    %sign3A = arith.constant 0 : i32
    %sign3A_48 = arith.cmpi sgt, %sub3A_47, %sign3A : i32
    %sign3A_49 = arith.extui %sign3A_48 : i1 to i32
    %sign3A_50 = arith.constant 0 : i32
    %sign3A_51 = arith.cmpi slt, %sub3A_47, %sign3A_50 : i32
    %sign3A_52 = arith.extui %sign3A_51 : i1 to i32
    %sign3A_53 = arith.subi %sign3A_49, %sign3A_52 : i32
    %sign3A_54 = arith.constant 0 : i32
    %sign3A_55 = arith.cmpi sgt, %jit3A, %sign3A_54 : i32
    %sign3A_56 = arith.extui %sign3A_55 : i1 to i32
    %sign3A_57 = arith.constant 0 : i32
    %sign3A_58 = arith.cmpi slt, %jit3A, %sign3A_57 : i32
    %sign3A_59 = arith.extui %sign3A_58 : i1 to i32
    %sign3A_60 = arith.subi %sign3A_56, %sign3A_59 : i32
    %ne3A = arith.cmpi ne, %sign3A_53, %sign3A_60 : i32
    %rem3A = arith.remsi %sub3A_47, %jit3A : i32
    %ne3A_61 = arith.constant 0 : i32
    %ne3A_62 = arith.cmpi ne, %rem3A, %ne3A_61 : i32
    %and3A = arith.andi %ne3A, %ne3A_62 : i1
    %sub3A_63 = arith.constant 1 : i32
    %sub3A_64 = arith.subi %div3A, %sub3A_63 : i32
    %select_n3A = arith.select %and3A, %sub3A_64, %div3A : i32
    %sub3A_65 = arith.constant 0 : i32
    %sub3A_66 = arith.subi %select_n3A, %sub3A_65 : i32
    %and3A_67 = arith.constant 1 : i32
    %and3A_68 = arith.andi %sub3A_66, %and3A_67 : i32
    %sub3A_69 = arith.subi %select_n3A, %and3A_68 : i32
    %ge3A = arith.constant 0 : i32
    %ge3A_70 = arith.cmpi sge, %sub3A_69, %ge3A : i32
    %convert_element_type3A_71 = arith.extui %ge3A_70 : i1 to i32
    %cond3A_72 = arith.constant 0 : i32
    %cond3A_73 = arith.cmpi ne, %convert_element_type3A_71, %cond3A_72 : i32
    scf.if %cond3A_73 {
      %mul3A_84 = arith.constant 16 : i32
      %mul3A_85 = arith.muli %sub3A_69, %mul3A_84 : i32
      %add3A_86 = arith.addi %arg1, %mul3A_85 : i32
      %mul3A_87 = arith.constant 200 : i32
      %mul3A_88 = arith.muli %add3A_86, %mul3A_87 : i32
      %dma_wait3A = tpu.memref_slice %arg4[%mul3A_88, %mul3A_0] : memref<25000x128xf32, #tpu.memory_space<hbm>> -> memref<200x64xf32, #tpu.memory_space<hbm>>
      %dma_wait3A_89 = tpu.memref_slice %arg4[%mul3A_88, %mul3A_0] : memref<25000x128xf32, #tpu.memory_space<hbm>> -> memref<200x64xf32, #tpu.memory_space<hbm>>
      tpu.wait_dma2 semaphore(%arg10 : memref<!tpu.dma_semaphore, #tpu.memory_space<semaphore_mem>>) src(%arg5 : memref<200x64xf32, #tpu.memory_space<vmem>>) dst(%dma_wait3A_89 : memref<200x64xf32, #tpu.memory_space<hbm>>)
    } else {
    }
    %sub3A_74 = arith.constant 1 : i32
    %sub3A_75 = arith.subi %select_n3A, %sub3A_74 : i32
    %and3A_76 = arith.constant 1 : i32
    %and3A_77 = arith.andi %sub3A_75, %and3A_76 : i32
    %sub3A_78 = arith.subi %select_n3A, %and3A_77 : i32
    %ge3A_79 = arith.constant 0 : i32
    %ge3A_80 = arith.cmpi sge, %sub3A_78, %ge3A_79 : i32
    %convert_element_type3A_81 = arith.extui %ge3A_80 : i1 to i32
    %cond3A_82 = arith.constant 0 : i32
    %cond3A_83 = arith.cmpi ne, %convert_element_type3A_81, %cond3A_82 : i32
    scf.if %cond3A_83 {
      %mul3A_84 = arith.constant 16 : i32
      %mul3A_85 = arith.muli %sub3A_78, %mul3A_84 : i32
      %add3A_86 = arith.addi %arg1, %mul3A_85 : i32
      %mul3A_87 = arith.constant 200 : i32
      %mul3A_88 = arith.muli %add3A_86, %mul3A_87 : i32
      %dma_wait3A = tpu.memref_slice %arg4[%mul3A_88, %mul3A_0] : memref<25000x128xf32, #tpu.memory_space<hbm>> -> memref<200x64xf32, #tpu.memory_space<hbm>>
      %dma_wait3A_89 = tpu.memref_slice %arg4[%mul3A_88, %mul3A_0] : memref<25000x128xf32, #tpu.memory_space<hbm>> -> memref<200x64xf32, #tpu.memory_space<hbm>>
      tpu.wait_dma2 semaphore(%arg11 : memref<!tpu.dma_semaphore, #tpu.memory_space<semaphore_mem>>) src(%arg6 : memref<200x64xf32, #tpu.memory_space<vmem>>) dst(%dma_wait3A_89 : memref<200x64xf32, #tpu.memory_space<hbm>>)
    } else {
    }
    return
  }
}

module attributes {stable_mosaic.version = 14 : i64} {
  func.func @_dense_body(%arg0: memref<6250x128xf32, #tpu.memory_space<vmem>>, %arg1: memref<128x128xf32, #tpu.memory_space<vmem>>, %arg2: memref<1x128xf32, #tpu.memory_space<vmem>>, %arg3: memref<1x128xf32, #tpu.memory_space<vmem>>, %arg4: memref<1x128xf32, #tpu.memory_space<vmem>>, %arg5: memref<128x128xf32, #tpu.memory_space<vmem>>, %arg6: memref<1x128xf32, #tpu.memory_space<vmem>>, %arg7: memref<1x128xf32, #tpu.memory_space<vmem>>, %arg8: memref<1x128xf32, #tpu.memory_space<vmem>>, %arg9: memref<128x16xf32, #tpu.memory_space<vmem>>, %arg10: memref<1x16xf32, #tpu.memory_space<vmem>>, %arg11: memref<6250x16xf32, #tpu.memory_space<vmem>>) attributes {dimension_semantics = [], scalar_prefetch = 0 : i64, scratch_operands = 0 : i64, tpu.core_type = #tpu.core_type<tc>} {
    %get3A = arith.constant 0 : index
    %get3A_0 = arith.constant 0 : index
    %get3A_1 = vector.load %arg0[%get3A, %get3A_0] : memref<6250x128xf32, #tpu.memory_space<vmem>>, vector<6250x128xf32>
    %get3A_2 = arith.constant 0 : index
    %get3A_3 = arith.constant 0 : index
    %get3A_4 = vector.load %arg1[%get3A_2, %get3A_3] : memref<128x128xf32, #tpu.memory_space<vmem>>, vector<128x128xf32>
    %dot_general3A = arith.constant dense<0.000000e+00> : vector<6250x128xf32>
    %dot_general3A_5 = tpu.matmul %get3A_1, %get3A_4, %dot_general3A {dimension_numbers = #tpu.dot_dimension_numbers<[1], [0], [0], [1], [0, 0, 1, 1], [], []>, transpose_lhs_hint = false} : vector<6250x128xf32>, vector<128x128xf32>, vector<6250x128xf32> -> vector<6250x128xf32>
    %get3A_6 = arith.constant 0 : index
    %get3A_7 = arith.constant 0 : index
    %get3A_8 = vector.load %arg2[%get3A_6, %get3A_7] : memref<1x128xf32, #tpu.memory_space<vmem>>, vector<1x128xf32>
    %add3A = vector.broadcast %get3A_8 : vector<1x128xf32> to vector<6250x128xf32>
    %add3A_9 = arith.addf %dot_general3A_5, %add3A : vector<6250x128xf32>
    %reduce_sum3A = arith.constant dense<0.000000e+00> : vector<128xf32>
    %reduce_sum3A_10 = vector.multi_reduction <add>, %add3A_9, %reduce_sum3A [0] : vector<6250x128xf32> to vector<128xf32>
    %broadcast_in_dim3A = vector.shape_cast %reduce_sum3A_10 : vector<128xf32> to vector<1x128xf32>
    %div3A = arith.constant 6.250000e+03 : f32
    %div3A_11 = vector.broadcast %div3A : f32 to vector<1x128xf32>
    %div3A_12 = arith.divf %broadcast_in_dim3A, %div3A_11 : vector<1x128xf32>
    %sub3A = vector.broadcast %div3A_12 : vector<1x128xf32> to vector<6250x128xf32>
    %sub3A_13 = arith.subf %add3A_9, %sub3A : vector<6250x128xf32>
    %sub3A_14 = vector.broadcast %div3A_12 : vector<1x128xf32> to vector<6250x128xf32>
    %sub3A_15 = arith.subf %add3A_9, %sub3A_14 : vector<6250x128xf32>
    %mul3A = arith.mulf %sub3A_13, %sub3A_15 : vector<6250x128xf32>
    %reduce_sum3A_16 = arith.constant dense<0.000000e+00> : vector<128xf32>
    %reduce_sum3A_17 = vector.multi_reduction <add>, %mul3A, %reduce_sum3A_16 [0] : vector<6250x128xf32> to vector<128xf32>
    %broadcast_in_dim3A_18 = vector.shape_cast %reduce_sum3A_17 : vector<128xf32> to vector<1x128xf32>
    %div3A_19 = arith.constant 6.250000e+03 : f32
    %div3A_20 = vector.broadcast %div3A_19 : f32 to vector<1x128xf32>
    %div3A_21 = arith.divf %broadcast_in_dim3A_18, %div3A_20 : vector<1x128xf32>
    %sub3A_22 = vector.broadcast %div3A_12 : vector<1x128xf32> to vector<6250x128xf32>
    %sub3A_23 = arith.subf %add3A_9, %sub3A_22 : vector<6250x128xf32>
    %add3A_24 = arith.constant 9.99999974E-6 : f32
    %add3A_25 = vector.broadcast %add3A_24 : f32 to vector<1x128xf32>
    %add3A_26 = arith.addf %div3A_21, %add3A_25 : vector<1x128xf32>
    %rsqrt3A = math.rsqrt %add3A_26 : vector<1x128xf32>
    %mul3A_27 = vector.broadcast %rsqrt3A : vector<1x128xf32> to vector<6250x128xf32>
    %mul3A_28 = arith.mulf %sub3A_23, %mul3A_27 : vector<6250x128xf32>
    %get3A_29 = arith.constant 0 : index
    %get3A_30 = arith.constant 0 : index
    %get3A_31 = vector.load %arg3[%get3A_29, %get3A_30] : memref<1x128xf32, #tpu.memory_space<vmem>>, vector<1x128xf32>
    %mul3A_32 = vector.broadcast %get3A_31 : vector<1x128xf32> to vector<6250x128xf32>
    %mul3A_33 = arith.mulf %mul3A_28, %mul3A_32 : vector<6250x128xf32>
    %get3A_34 = arith.constant 0 : index
    %get3A_35 = arith.constant 0 : index
    %get3A_36 = vector.load %arg4[%get3A_34, %get3A_35] : memref<1x128xf32, #tpu.memory_space<vmem>>, vector<1x128xf32>
    %add3A_37 = vector.broadcast %get3A_36 : vector<1x128xf32> to vector<6250x128xf32>
    %add3A_38 = arith.addf %mul3A_33, %add3A_37 : vector<6250x128xf32>
    %max3A = arith.constant 0.000000e+00 : f32
    %max3A_39 = vector.broadcast %max3A : f32 to vector<6250x128xf32>
    %max3A_40 = arith.maximumf %add3A_38, %max3A_39 : vector<6250x128xf32>
    %get3A_41 = arith.constant 0 : index
    %get3A_42 = arith.constant 0 : index
    %get3A_43 = vector.load %arg5[%get3A_41, %get3A_42] : memref<128x128xf32, #tpu.memory_space<vmem>>, vector<128x128xf32>
    %dot_general3A_44 = arith.constant dense<0.000000e+00> : vector<6250x128xf32>
    %dot_general3A_45 = tpu.matmul %max3A_40, %get3A_43, %dot_general3A_44 {dimension_numbers = #tpu.dot_dimension_numbers<[1], [0], [0], [1], [0, 0, 1, 1], [], []>, transpose_lhs_hint = false} : vector<6250x128xf32>, vector<128x128xf32>, vector<6250x128xf32> -> vector<6250x128xf32>
    %get3A_46 = arith.constant 0 : index
    %get3A_47 = arith.constant 0 : index
    %get3A_48 = vector.load %arg6[%get3A_46, %get3A_47] : memref<1x128xf32, #tpu.memory_space<vmem>>, vector<1x128xf32>
    %add3A_49 = vector.broadcast %get3A_48 : vector<1x128xf32> to vector<6250x128xf32>
    %add3A_50 = arith.addf %dot_general3A_45, %add3A_49 : vector<6250x128xf32>
    %reduce_sum3A_51 = arith.constant dense<0.000000e+00> : vector<128xf32>
    %reduce_sum3A_52 = vector.multi_reduction <add>, %add3A_50, %reduce_sum3A_51 [0] : vector<6250x128xf32> to vector<128xf32>
    %broadcast_in_dim3A_53 = vector.shape_cast %reduce_sum3A_52 : vector<128xf32> to vector<1x128xf32>
    %div3A_54 = arith.constant 6.250000e+03 : f32
    %div3A_55 = vector.broadcast %div3A_54 : f32 to vector<1x128xf32>
    %div3A_56 = arith.divf %broadcast_in_dim3A_53, %div3A_55 : vector<1x128xf32>
    %sub3A_57 = vector.broadcast %div3A_56 : vector<1x128xf32> to vector<6250x128xf32>
    %sub3A_58 = arith.subf %add3A_50, %sub3A_57 : vector<6250x128xf32>
    %sub3A_59 = vector.broadcast %div3A_56 : vector<1x128xf32> to vector<6250x128xf32>
    %sub3A_60 = arith.subf %add3A_50, %sub3A_59 : vector<6250x128xf32>
    %mul3A_61 = arith.mulf %sub3A_58, %sub3A_60 : vector<6250x128xf32>
    %reduce_sum3A_62 = arith.constant dense<0.000000e+00> : vector<128xf32>
    %reduce_sum3A_63 = vector.multi_reduction <add>, %mul3A_61, %reduce_sum3A_62 [0] : vector<6250x128xf32> to vector<128xf32>
    %broadcast_in_dim3A_64 = vector.shape_cast %reduce_sum3A_63 : vector<128xf32> to vector<1x128xf32>
    %div3A_65 = arith.constant 6.250000e+03 : f32
    %div3A_66 = vector.broadcast %div3A_65 : f32 to vector<1x128xf32>
    %div3A_67 = arith.divf %broadcast_in_dim3A_64, %div3A_66 : vector<1x128xf32>
    %sub3A_68 = vector.broadcast %div3A_56 : vector<1x128xf32> to vector<6250x128xf32>
    %sub3A_69 = arith.subf %add3A_50, %sub3A_68 : vector<6250x128xf32>
    %add3A_70 = arith.constant 9.99999974E-6 : f32
    %add3A_71 = vector.broadcast %add3A_70 : f32 to vector<1x128xf32>
    %add3A_72 = arith.addf %div3A_67, %add3A_71 : vector<1x128xf32>
    %rsqrt3A_73 = math.rsqrt %add3A_72 : vector<1x128xf32>
    %mul3A_74 = vector.broadcast %rsqrt3A_73 : vector<1x128xf32> to vector<6250x128xf32>
    %mul3A_75 = arith.mulf %sub3A_69, %mul3A_74 : vector<6250x128xf32>
    %get3A_76 = arith.constant 0 : index
    %get3A_77 = arith.constant 0 : index
    %get3A_78 = vector.load %arg7[%get3A_76, %get3A_77] : memref<1x128xf32, #tpu.memory_space<vmem>>, vector<1x128xf32>
    %mul3A_79 = vector.broadcast %get3A_78 : vector<1x128xf32> to vector<6250x128xf32>
    %mul3A_80 = arith.mulf %mul3A_75, %mul3A_79 : vector<6250x128xf32>
    %get3A_81 = arith.constant 0 : index
    %get3A_82 = arith.constant 0 : index
    %get3A_83 = vector.load %arg8[%get3A_81, %get3A_82] : memref<1x128xf32, #tpu.memory_space<vmem>>, vector<1x128xf32>
    %add3A_84 = vector.broadcast %get3A_83 : vector<1x128xf32> to vector<6250x128xf32>
    %add3A_85 = arith.addf %mul3A_80, %add3A_84 : vector<6250x128xf32>
    %max3A_86 = arith.constant 0.000000e+00 : f32
    %max3A_87 = vector.broadcast %max3A_86 : f32 to vector<6250x128xf32>
    %max3A_88 = arith.maximumf %add3A_85, %max3A_87 : vector<6250x128xf32>
    %get3A_89 = arith.constant 0 : index
    %get3A_90 = arith.constant 0 : index
    %get3A_91 = vector.load %arg9[%get3A_89, %get3A_90] : memref<128x16xf32, #tpu.memory_space<vmem>>, vector<128x16xf32>
    %dot_general3A_92 = arith.constant dense<0.000000e+00> : vector<6250x16xf32>
    %dot_general3A_93 = tpu.matmul %max3A_88, %get3A_91, %dot_general3A_92 {dimension_numbers = #tpu.dot_dimension_numbers<[1], [0], [0], [1], [0, 0, 1, 1], [], []>, transpose_lhs_hint = false} : vector<6250x128xf32>, vector<128x16xf32>, vector<6250x16xf32> -> vector<6250x16xf32>
    %get3A_94 = arith.constant 0 : index
    %get3A_95 = arith.constant 0 : index
    %get3A_96 = vector.load %arg10[%get3A_94, %get3A_95] : memref<1x16xf32, #tpu.memory_space<vmem>>, vector<1x16xf32>
    %add3A_97 = vector.broadcast %get3A_96 : vector<1x16xf32> to vector<6250x16xf32>
    %add3A_98 = arith.addf %dot_general3A_93, %add3A_97 : vector<6250x16xf32>
    %swap3A = arith.constant 0 : index
    %swap3A_99 = arith.constant 0 : index
    %swap3A_100 = vector.load %arg11[%swap3A, %swap3A_99] : memref<6250x16xf32, #tpu.memory_space<vmem>>, vector<6250x16xf32>
    tpu.vector_store %arg11[%swap3A, %swap3A_99], %add3A_98 {strides = array<i32>} : memref<6250x16xf32, #tpu.memory_space<vmem>>, vector<6250x16xf32>,
    return
  }
}

module attributes {stable_mosaic.version = 14 : i64} {
  func.func @_dense_body(%arg0: memref<25000x128xf32, #tpu.memory_space<vmem>>, %arg1: memref<128x128xf32, #tpu.memory_space<vmem>>, %arg2: memref<1x128xf32, #tpu.memory_space<vmem>>, %arg3: memref<1x128xf32, #tpu.memory_space<vmem>>, %arg4: memref<1x128xf32, #tpu.memory_space<vmem>>, %arg5: memref<128x128xf32, #tpu.memory_space<vmem>>, %arg6: memref<1x128xf32, #tpu.memory_space<vmem>>, %arg7: memref<1x128xf32, #tpu.memory_space<vmem>>, %arg8: memref<1x128xf32, #tpu.memory_space<vmem>>, %arg9: memref<25000x128xf32, #tpu.memory_space<vmem>>) attributes {dimension_semantics = [], scalar_prefetch = 0 : i64, scratch_operands = 0 : i64, tpu.core_type = #tpu.core_type<tc>} {
    %get3A = arith.constant 0 : index
    %get3A_0 = arith.constant 0 : index
    %get3A_1 = vector.load %arg0[%get3A, %get3A_0] : memref<25000x128xf32, #tpu.memory_space<vmem>>, vector<25000x128xf32>
    %get3A_2 = arith.constant 0 : index
    %get3A_3 = arith.constant 0 : index
    %get3A_4 = vector.load %arg1[%get3A_2, %get3A_3] : memref<128x128xf32, #tpu.memory_space<vmem>>, vector<128x128xf32>
    %dot_general3A = arith.constant dense<0.000000e+00> : vector<25000x128xf32>
    %dot_general3A_5 = tpu.matmul %get3A_1, %get3A_4, %dot_general3A {dimension_numbers = #tpu.dot_dimension_numbers<[1], [0], [0], [1], [0, 0, 1, 1], [], []>, transpose_lhs_hint = false} : vector<25000x128xf32>, vector<128x128xf32>, vector<25000x128xf32> -> vector<25000x128xf32>
    %get3A_6 = arith.constant 0 : index
    %get3A_7 = arith.constant 0 : index
    %get3A_8 = vector.load %arg2[%get3A_6, %get3A_7] : memref<1x128xf32, #tpu.memory_space<vmem>>, vector<1x128xf32>
    %add3A = vector.broadcast %get3A_8 : vector<1x128xf32> to vector<25000x128xf32>
    %add3A_9 = arith.addf %dot_general3A_5, %add3A : vector<25000x128xf32>
    %reduce_sum3A = arith.constant dense<0.000000e+00> : vector<128xf32>
    %reduce_sum3A_10 = vector.multi_reduction <add>, %add3A_9, %reduce_sum3A [0] : vector<25000x128xf32> to vector<128xf32>
    %broadcast_in_dim3A = vector.shape_cast %reduce_sum3A_10 : vector<128xf32> to vector<1x128xf32>
    %div3A = arith.constant 2.500000e+04 : f32
    %div3A_11 = vector.broadcast %div3A : f32 to vector<1x128xf32>
    %div3A_12 = arith.divf %broadcast_in_dim3A, %div3A_11 : vector<1x128xf32>
    %sub3A = vector.broadcast %div3A_12 : vector<1x128xf32> to vector<25000x128xf32>
    %sub3A_13 = arith.subf %add3A_9, %sub3A : vector<25000x128xf32>
    %sub3A_14 = vector.broadcast %div3A_12 : vector<1x128xf32> to vector<25000x128xf32>
    %sub3A_15 = arith.subf %add3A_9, %sub3A_14 : vector<25000x128xf32>
    %mul3A = arith.mulf %sub3A_13, %sub3A_15 : vector<25000x128xf32>
    %reduce_sum3A_16 = arith.constant dense<0.000000e+00> : vector<128xf32>
    %reduce_sum3A_17 = vector.multi_reduction <add>, %mul3A, %reduce_sum3A_16 [0] : vector<25000x128xf32> to vector<128xf32>
    %broadcast_in_dim3A_18 = vector.shape_cast %reduce_sum3A_17 : vector<128xf32> to vector<1x128xf32>
    %div3A_19 = arith.constant 2.500000e+04 : f32
    %div3A_20 = vector.broadcast %div3A_19 : f32 to vector<1x128xf32>
    %div3A_21 = arith.divf %broadcast_in_dim3A_18, %div3A_20 : vector<1x128xf32>
    %sub3A_22 = vector.broadcast %div3A_12 : vector<1x128xf32> to vector<25000x128xf32>
    %sub3A_23 = arith.subf %add3A_9, %sub3A_22 : vector<25000x128xf32>
    %add3A_24 = arith.constant 9.99999974E-6 : f32
    %add3A_25 = vector.broadcast %add3A_24 : f32 to vector<1x128xf32>
    %add3A_26 = arith.addf %div3A_21, %add3A_25 : vector<1x128xf32>
    %rsqrt3A = math.rsqrt %add3A_26 : vector<1x128xf32>
    %mul3A_27 = vector.broadcast %rsqrt3A : vector<1x128xf32> to vector<25000x128xf32>
    %mul3A_28 = arith.mulf %sub3A_23, %mul3A_27 : vector<25000x128xf32>
    %get3A_29 = arith.constant 0 : index
    %get3A_30 = arith.constant 0 : index
    %get3A_31 = vector.load %arg3[%get3A_29, %get3A_30] : memref<1x128xf32, #tpu.memory_space<vmem>>, vector<1x128xf32>
    %mul3A_32 = vector.broadcast %get3A_31 : vector<1x128xf32> to vector<25000x128xf32>
    %mul3A_33 = arith.mulf %mul3A_28, %mul3A_32 : vector<25000x128xf32>
    %get3A_34 = arith.constant 0 : index
    %get3A_35 = arith.constant 0 : index
    %get3A_36 = vector.load %arg4[%get3A_34, %get3A_35] : memref<1x128xf32, #tpu.memory_space<vmem>>, vector<1x128xf32>
    %add3A_37 = vector.broadcast %get3A_36 : vector<1x128xf32> to vector<25000x128xf32>
    %add3A_38 = arith.addf %mul3A_33, %add3A_37 : vector<25000x128xf32>
    %max3A = arith.constant 0.000000e+00 : f32
    %max3A_39 = vector.broadcast %max3A : f32 to vector<25000x128xf32>
    %max3A_40 = arith.maximumf %add3A_38, %max3A_39 : vector<25000x128xf32>
    %get3A_41 = arith.constant 0 : index
    %get3A_42 = arith.constant 0 : index
    %get3A_43 = vector.load %arg5[%get3A_41, %get3A_42] : memref<128x128xf32, #tpu.memory_space<vmem>>, vector<128x128xf32>
    %dot_general3A_44 = arith.constant dense<0.000000e+00> : vector<25000x128xf32>
    %dot_general3A_45 = tpu.matmul %max3A_40, %get3A_43, %dot_general3A_44 {dimension_numbers = #tpu.dot_dimension_numbers<[1], [0], [0], [1], [0, 0, 1, 1], [], []>, transpose_lhs_hint = false} : vector<25000x128xf32>, vector<128x128xf32>, vector<25000x128xf32> -> vector<25000x128xf32>
    %get3A_46 = arith.constant 0 : index
    %get3A_47 = arith.constant 0 : index
    %get3A_48 = vector.load %arg6[%get3A_46, %get3A_47] : memref<1x128xf32, #tpu.memory_space<vmem>>, vector<1x128xf32>
    %add3A_49 = vector.broadcast %get3A_48 : vector<1x128xf32> to vector<25000x128xf32>
    %add3A_50 = arith.addf %dot_general3A_45, %add3A_49 : vector<25000x128xf32>
    %reduce_sum3A_51 = arith.constant dense<0.000000e+00> : vector<128xf32>
    %reduce_sum3A_52 = vector.multi_reduction <add>, %add3A_50, %reduce_sum3A_51 [0] : vector<25000x128xf32> to vector<128xf32>
    %broadcast_in_dim3A_53 = vector.shape_cast %reduce_sum3A_52 : vector<128xf32> to vector<1x128xf32>
    %div3A_54 = arith.constant 2.500000e+04 : f32
    %div3A_55 = vector.broadcast %div3A_54 : f32 to vector<1x128xf32>
    %div3A_56 = arith.divf %broadcast_in_dim3A_53, %div3A_55 : vector<1x128xf32>
    %sub3A_57 = vector.broadcast %div3A_56 : vector<1x128xf32> to vector<25000x128xf32>
    %sub3A_58 = arith.subf %add3A_50, %sub3A_57 : vector<25000x128xf32>
    %sub3A_59 = vector.broadcast %div3A_56 : vector<1x128xf32> to vector<25000x128xf32>
    %sub3A_60 = arith.subf %add3A_50, %sub3A_59 : vector<25000x128xf32>
    %mul3A_61 = arith.mulf %sub3A_58, %sub3A_60 : vector<25000x128xf32>
    %reduce_sum3A_62 = arith.constant dense<0.000000e+00> : vector<128xf32>
    %reduce_sum3A_63 = vector.multi_reduction <add>, %mul3A_61, %reduce_sum3A_62 [0] : vector<25000x128xf32> to vector<128xf32>
    %broadcast_in_dim3A_64 = vector.shape_cast %reduce_sum3A_63 : vector<128xf32> to vector<1x128xf32>
    %div3A_65 = arith.constant 2.500000e+04 : f32
    %div3A_66 = vector.broadcast %div3A_65 : f32 to vector<1x128xf32>
    %div3A_67 = arith.divf %broadcast_in_dim3A_64, %div3A_66 : vector<1x128xf32>
    %sub3A_68 = vector.broadcast %div3A_56 : vector<1x128xf32> to vector<25000x128xf32>
    %sub3A_69 = arith.subf %add3A_50, %sub3A_68 : vector<25000x128xf32>
    %add3A_70 = arith.constant 9.99999974E-6 : f32
    %add3A_71 = vector.broadcast %add3A_70 : f32 to vector<1x128xf32>
    %add3A_72 = arith.addf %div3A_67, %add3A_71 : vector<1x128xf32>
    %rsqrt3A_73 = math.rsqrt %add3A_72 : vector<1x128xf32>
    %mul3A_74 = vector.broadcast %rsqrt3A_73 : vector<1x128xf32> to vector<25000x128xf32>
    %mul3A_75 = arith.mulf %sub3A_69, %mul3A_74 : vector<25000x128xf32>
    %get3A_76 = arith.constant 0 : index
    %get3A_77 = arith.constant 0 : index
    %get3A_78 = vector.load %arg7[%get3A_76, %get3A_77] : memref<1x128xf32, #tpu.memory_space<vmem>>, vector<1x128xf32>
    %mul3A_79 = vector.broadcast %get3A_78 : vector<1x128xf32> to vector<25000x128xf32>
    %mul3A_80 = arith.mulf %mul3A_75, %mul3A_79 : vector<25000x128xf32>
    %get3A_81 = arith.constant 0 : index
    %get3A_82 = arith.constant 0 : index
    %get3A_83 = vector.load %arg8[%get3A_81, %get3A_82] : memref<1x128xf32, #tpu.memory_space<vmem>>, vector<1x128xf32>
    %add3A_84 = vector.broadcast %get3A_83 : vector<1x128xf32> to vector<25000x128xf32>
    %add3A_85 = arith.addf %mul3A_80, %add3A_84 : vector<25000x128xf32>
    %max3A_86 = arith.constant 0.000000e+00 : f32
    %max3A_87 = vector.broadcast %max3A_86 : f32 to vector<25000x128xf32>
    %max3A_88 = arith.maximumf %add3A_85, %max3A_87 : vector<25000x128xf32>
    %swap3A = arith.constant 0 : index
    %swap3A_89 = arith.constant 0 : index
    %swap3A_90 = vector.load %arg9[%swap3A, %swap3A_89] : memref<25000x128xf32, #tpu.memory_space<vmem>>, vector<25000x128xf32>
    tpu.vector_store %arg9[%swap3A, %swap3A_89], %max3A_88 {strides = array<i32>} : memref<25000x128xf32, #tpu.memory_space<vmem>>, vector<25000x128xf32>,
    return
  }
}

</mosaic_0001>

<sc_bundles>
// kernel: kernel.6.cloned.1.call-start
scs
__scs_entry_jumppad:
0x0: {  	(pc) =	sbr.rel $0x88, $3  }
0x1: {  	(tag) =	ssettag $0x0;
	lr =	simm.s32 $0x1  }
0x2: {  	[smem:$0x3F8C] =	sst lr;
	_ =	strace $0xD0000000  }
0x3: {  	_ = 	snop  }
0x4: {  	_ = 	snop  }
0x5: {  	_ = 	snop  }
0x6: {  	_ = 	snop  }
0x7: {  	_ = 	snop  }
__scs_overlays_trampoline_lowered:
0x8: {  	[smem:$0x3F9B] =	sst s0  }
0x9: {  	[smem:$0x3F9C] =	sst s1  }
0xa: {  	[smem:$0x3F9D] =	sst s2  }
0xb: {  	[smem:$0x3F9E] =	sst s3  }
0xc: {  	[smem:$0x3F9F] =	sst s4  }
0xd: {  	[smem:$0x3FA0] =	sst s5  }
0xe: {  	[smem:$0x3FA1] =	sst s6  }
0xf: {  	[smem:$0x3FA2] =	sst s7  }
0x10: {  	[smem:$0x3FA3] =	sst s8  }
0x11: {  	[smem:$0x3FA4] =	sst s9;
	s0 =	simm.s32 @!p0 $0x0  }
0x12: {  	s1 =	sld [smem:$0x3F8A];
	s0 =	simm.s32 @p0 $0x1  }
0x13: {  	[smem:$0x3FA5] =	sst s0;
	s0 =	simm.s32 @!p1 $0x0  }
0x14: {  	s2 =	sld [smem:$0x3F89];
	s0 =	simm.s32 @p1 $0x1  }
0x15: {  	[smem:$0x3FA6] =	sst s0;
	s0 =	simm.s32 @!p2 $0x0  }
0x16: {  	s3 =	sld [smem:$0x3FDB];
	s0 =	simm.s32 @p2 $0x1  }
0x17: {  	s4 =	simm.s32 $0x1BF5;
	[smem:$0x3FA8] =	sst s0  }
0x18: {  	s0 =	sld [smem:$0x3F8B];
	_ =	swait.ge [sflag:s4], $0x0  }
0x19: {  	s7 =	sld [smem:$0x3F8C]  }
0x1a: {  	s8 =	sadd.s32 $0xFFFFE003, lr  }
0x1b: {  	s9 =	sadd.s32 $0xFFFFFEF7, lr;
	s5 =	simm.s32 $0xFFFFFFFF;
	p2 =	slt.u32 s8, $0xFFFFF086  }
0x1c: {  	p1 =	slt.u32 s9, $0xF7A;
	s5 =	simm.s32 @!p2 $0x0  }
0x1d: {  	s5 =	simm.s32 @p1 $0x1;
	p0 =	seq.s32 s7, s2  }
0x1e: {  	s7 =	smul.u32 @!p0 $0xF7A, s2;
	p2 =	seq.s32 @!p0 s5, $0x0  }
0x1f: {  	s9 =	smul.u32 $0xF7A, s1;
	s8 =	simm.s32 @!p0 $0x1BF5;
	p2 =	por !p2, p0  }
0x20: {  	[sflag:s8] =	ssyncset.s32 @!p0 $0xFFFFF086;
	s6 =	sadd.s32 @!p0 s3, s7;
	s7 =	simm.s32 @!p0 $0x108  }
0x21: {  	s3 =	sadd.s32 s3, s9;
	s6 =	sadd.s32 @!p0 $0x88, s6;
	s7 =	simm.s32 @p2 $0x1082  }
0x22: {  	[simem:s7], [sflag:s8] =	dma.local @!p0 [hbm:s6], $0xF7A  }
0x23: {  	s9 =	sor.u32 $0xD0000000, s2;
	s6 =	simm.s32 $0x108;
	_ =	swait.ge @!p0 [sflag:s8], $0x0  }
0x24: {  	s3 =	sadd.s32 $0x88, s3;
	s6 =	simm.s32 @!p1 $0x1082;
	[sflag:s4] =	ssyncset.s32 $0xFFFFF086  }
0x25: {  	[simem:s6], [sflag:s4] =	dma.local [hbm:s3], $0xF7A  }
0x26: {  	[smem:$0x3F8C] =	sst s1;
	(tag) =	ssettag s2;
	_ =	strace s9  }
0x27: {  	s1 =	sld [smem:$0x3F9C]  }
0x28: {  	s2 =	sld [smem:$0x3F9D]  }
0x29: {  	s4 =	sld [smem:$0x3F9F]  }
0x2a: {  	p0 =	seq.s32 s5, $0x0;
	s5 =	sld [smem:$0x3FA0]  }
0x2b: {  	s6 =	sld [smem:$0x3FA1]  }
0x2c: {  	s7 =	sld [smem:$0x3FA2]  }
0x2d: {  	s3 =	simm.s32 $0x108;
	s8 =	sld [smem:$0x3FA3]  }
0x2e: {  	s3 =	simm.s32 @!p0 $0x1082;
	s9 =	sld [smem:$0x3FA4]  }
0x2f: {  	lr =	sadd.s32 s0, s3;
	s0 =	sld [smem:$0x3F9B]  }
0x30: {  	s3 =	sld [smem:$0x3F9E]  }
0x31: {  	[smem:$0x3FA7] =	sst s10  }
0x32: {  	s10 =	sld [smem:$0x3FA5];
	_ =	sdelay $0x3  }
0x33: {  	p0 =	seq.s32 s10, $0x1;
	s10 =	sld [smem:$0x3FA7];
	_ =	sdelay $0x3  }
0x34: {  	[smem:$0x3FA7] =	sst s10  }
0x35: {  	s10 =	sld [smem:$0x3FA6];
	_ =	sdelay $0x3  }
0x36: {  	p1 =	seq.s32 s10, $0x1;
	s10 =	sld [smem:$0x3FA7];
	_ =	sdelay $0x3  }
0x37: {  	[smem:$0x3FA7] =	sst s10  }
0x38: {  	s10 =	sld [smem:$0x3FA8]  }
0x39: {  	_ = 	snop;
	(pc) =	sbr.ind lr, $3  }
0x3a: {  	_ = 	snop  }
0x3b: {  	_ = 	snop  }
0x3c: {  	p2 =	seq.s32 s10, $0x1;
	s10 =	sld [smem:$0x3FA7]  }
0x3d: {  	_ =	shalt  }
0x3e: {  	_ =	shalt  }
0x3f: {  	_ =	shalt  }
0x40: {  	_ =	shalt  }
0x41: {  	_ =	shalt  }
0x42: {  	_ =	shalt  }
0x43: {  	_ =	shalt  }
0x44: {  	_ =	shalt  }
0x45: {  	_ =	shalt  }
0x46: {  	_ =	shalt  }
0x47: {  	_ =	shalt  }
0x48: {  	_ =	shalt  }
0x49: {  	_ =	shalt  }
0x4a: {  	_ =	shalt  }
0x4b: {  	_ =	shalt  }
0x4c: {  	_ =	shalt  }
0x4d: {  	_ =	shalt  }
0x4e: {  	_ =	shalt  }
0x4f: {  	_ =	shalt  }
0x50: {  	_ =	shalt  }
0x51: {  	_ =	shalt  }
0x52: {  	_ =	shalt  }
0x53: {  	_ =	shalt  }
0x54: {  	_ =	shalt  }
0x55: {  	_ =	shalt  }
0x56: {  	_ =	shalt  }
0x57: {  	_ =	shalt  }
0x58: {  	_ =	shalt  }
0x59: {  	_ =	shalt  }
0x5a: {  	_ =	shalt  }
0x5b: {  	_ =	shalt  }
0x5c: {  	_ =	shalt  }
0x5d: {  	_ =	shalt  }
0x5e: {  	_ =	shalt  }
0x5f: {  	_ =	shalt  }
0x60: {  	_ =	shalt  }
0x61: {  	_ =	shalt  }
0x62: {  	_ =	shalt  }
0x63: {  	_ =	shalt  }
0x64: {  	_ =	shalt  }
0x65: {  	_ =	shalt  }
0x66: {  	_ =	shalt  }
0x67: {  	_ =	shalt  }
0x68: {  	_ =	shalt  }
0x69: {  	_ =	shalt  }
0x6a: {  	_ =	shalt  }
0x6b: {  	_ =	shalt  }
0x6c: {  	_ =	shalt  }
0x6d: {  	_ =	shalt  }
0x6e: {  	_ =	shalt  }
0x6f: {  	_ =	shalt  }
0x70: {  	_ =	shalt  }
0x71: {  	_ =	shalt  }
0x72: {  	_ =	shalt  }
0x73: {  	_ =	shalt  }
0x74: {  	_ =	shalt  }
0x75: {  	_ =	shalt  }
0x76: {  	_ =	shalt  }
0x77: {  	_ =	shalt  }
0x78: {  	_ =	shalt  }
0x79: {  	_ =	shalt  }
0x7a: {  	_ =	shalt  }
0x7b: {  	_ =	shalt  }
0x7c: {  	_ =	shalt  }
0x7d: {  	_ =	shalt  }
0x7e: {  	_ =	shalt  }
0x7f: {  	_ =	shalt  }
0x80: {  	_ =	shalt  }
0x81: {  	_ =	shalt  }
0x82: {  	_ =	shalt  }
0x83: {  	_ =	shalt  }
0x84: {  	_ =	shalt  }
0x85: {  	_ =	shalt  }
0x86: {  	_ =	shalt  }
0x87: {  	_ =	shalt  }
.Lfunc_end0:
.L_simem_size_0:
called_computation_lowered:
.L_overlay_start_0:
0x88: {  	s2 =	sld [smem:$0x3FD9]  }
0x89: {  	s3 =	sld [smem:$0x3FFE];
	_ =	sdelay $0x1  }
0x8a: {  	s1 =	srdreg.scid  }
0x8b: {  	s0 =	sand.u32 $0x1, s1  }
0x8c: {  	s17 =	sshll.u32 s0, $0xA;
	s2 =	sadd.s32 s3, s2  }
0x8d: {  	s2 =	sadd.s32 s2, s17  }
0x8e: {  	[smem:$0x3FB3] =	sst s2  }
0x8f: {  	_ = 	snop  }
0x90: {  	s2 =	sld [smem:$0x3FC9]  }
0x91: {  	s18 =	sld [smem:$0x3FC8];
	(tm) =	ssettm $0x1  }
0x92: {  	s4 =	sld [smem:$0x3FFB];
	_ =	sdelay $0x3  }
0x93: {  	_ =	strace s4  }
0x94: {  	s4 =	sld [smem:$0x3FFC];
	_ =	sdelay $0x3  }
0x95: {  	_ =	strace s4  }
0x96: {  	s4 =	sld [smem:$0x3FFD];
	_ =	sdelay $0x3  }
0x97: {  	_ =	strace s4  }
0x98: {  	_ =	strace $0x8FFFFFFF  }
0x99: {  	s19 =	sld [smem:$0x3FDB];
	_ =	sdelay $0x1  }
0x9a: {  	s5 =	simm.s32 $_scs_section_size  }
0x9b: {  	s6 =	simm.s32 $_size__tile_overlayer_lowered;
	s7 =	simm.s32 $_tile_overlayer_lowered  }
0x9c: {  	s22 =	simm.s32 $0x1BFF;
	s21 =	sshll.u32 s7, $0x1;
	s4 =	sadd.s32 s5, s19  }
0x9d: {  	s8 =	simm.s32 $0x0;
	s20 =	sshll.u32 s6, $0x1;
	s6 =	sadd.s32 s21, s4  }
0x9e: {  	[timem:s8], [sflag:s22] =	dma.local [hbm:s6], s20  }
0x9f: {  	_ =	swait.ge [sflag:s22], s20  }
0xa0: {  	s5 =	ssub.s32 $0x0, s20;
	[sflag:s22] =	ssyncset.done $0x0  }
0xa1: {  	[sflag:s22] =	ssyncadd.s32 s5;
	_ =	sdelay $0x1  }
0xa2: {  	s23 =	simm.s32 $0x1B8B  }
0xa3: {  	_ =	swait.ge [sflag:s23], $0x1  }
0xa4: {  	[sflag:s23] =	ssyncset.done $0x0  }
0xa5: {  	s25 =	simm.s32 $0x1B8E;
	s24 =	sld [smem:$0x3FFE];
	[sflag:s23] =	ssyncadd.s32 $0xFFFFFFFF  }
0xa6: {  	s26 =	simm.s32 $execute0_lowered;
	[smem:$0x3FD2] =	sst s25  }
0xa7: {  	s6 =	sshll.u32 s26, $0x1;
	_ =	strace $0x80000046;
	[dreg:$0x1] =	wrdreg $0xFFFFFFFF  }
0xa8: {  	s28 =	simm.s32 $_size_execute0_lowered;
	s4 =	sadd.s32 s4, s6;
	[dreg:$0x0] =	wrdreg $0x0  }
0xa9: {  	s6 =	sshll.u32 s28, $0x1;
	[dreg:$0x2] =	wrdreg s4  }
0xaa: {  	[dreg:$0x3] =	wrdreg s6  }
0xab: {  	[dreg:$0x4] =	wrdreg $0xC0  }
0xac: {  	_ =	task [dreg:s8], $0x5FFFF  }
0xad: {  	[dreg:$0x1] =	wrdreg $0xFFFFFFFF  }
0xae: {  	[dreg:$0x0] =	wrdreg $0x60  }
0xaf: {  	[dreg:$0x2] =	wrdreg s2  }
0xb0: {  	[dreg:$0x3] =	wrdreg s18  }
0xb1: {  	[dreg:$0x4] =	wrdreg s24  }
0xb2: {  	[dreg:$0x5] =	wrdreg $0x65900  }
0xb3: {  	[dreg:$0x6] =	wrdreg $0x9  }
0xb4: {  	_ =	task.clear_ibuf [dreg:s8], $0x7FFFF;
	_ =	strace $0x90000046  }
0xb5: {  	s29 =	simm.s32 $0x9;
	_ =	strace $0x80000048  }
0xb6: {  	_ =	swait.ge [sflag:s29], $0x1  }
0xb7: {  	[sflag:s29] =	ssyncadd.s32 $0xFFFFFFFF  }
0xb8: {  	_ =	strace $0x90000048  }
0xb9: {  	_ =	sfence  }
0xba: {  	s30 =	sld [smem:$0x0];
	_ =	sdelay $0x2  }
0xbb: {  	s31 =	sshll.u32 s1, $0xD;
	s1 =	sshrl.u32 s1, $0x2  }
0xbc: {  	s3 =	sand.u32 $0x4000, s31;
	s1 =	sadd.s32 s1, s30  }
0xbd: {  	s0 =	sor.u32 s3, s0;
	s1 =	sshll.u32 s1, $0x11  }
0xbe: {  	s0 =	sor.u32 s1, s0  }
0xbf: {  	s0 =	sadd.s32 $0x8F2B, s0  }
0xc0: {  	[sflag:s0] =	ssyncadd.remote.s32 $0x1  }
0xc1: {  	_ =	sfence.sel $0xFFFF  }
0xc2: {  	[dreg:$0x0] =	wrdreg $0xFFFFFFFF;
	(pc) =	sbr.abs _section_cstart, $3  }
0xc3: {  	[dreg:$0x1] =	wrdreg $0xFFFFFFFF  }
0xc4: {  	_ =	task.clear_ibuf [dreg:s8], $0x2FFFF;
	_ =	strace $0x9FFFFFFF  }
0xc5: {  	(tm) =	ssettm $0x7FFFFFFF  }
tec
execute0_lowered:
.L_overlay_start_1:
0x0: {  	(tag) =	ssettag $0x1  }
0x1: {  	s1 =	rddreg [dreg:$0x0]  }
0x2: {  	s3 =	rddreg [dreg:$0x1]  }
0x3: {  	s0 =	rddreg [dreg:$0x2];
	s28 =	stileid.u32  }
0x4: {  	s2 =	rddreg [dreg:$0x3];
	s4 =	simm.s32 $0x0;
	s7 =	smul.u32 $0x19, s28  }
0x5: {  	s5 =	srdreg.scid;
	s9 =	smul.u32 $0x6400, s28;
	s10 =	sor.u32 $0x10, s28  }
0x6: {  	[smem:$0x7FF] =	sst s4;
	s12 =	smul.u32 $0x19, s10  }
0x7: {  	s5 =	sand.u32 $0x1, s5;
	s14 =	sor.u32 $0x20, s28;
	s13 =	smul.u32 $0x6400, s10  }
0x8: {  	s11 =	sadd.s32 $0x3000, s0;
	s18 =	sor.u32 $0x50, s28;
	s22 =	smul.u32 $0x6400, s14  }
0x9: {  	s20 =	sor.u32 $0x70, s28;
	p1 =	sgt.u32 s28, $0xC;
	s23 =	smul.u32 $0x6400, s18  }
0xa: {  	p2 =	sgt.u32 s28, $0x3;
	_ =	strace $0x80000047;
	s21 =	smul.u32 $0x6400, s20  }
0xb: {  	s6 =	ssub.s32 $0x2, s5;
	s5 =	sshll.u32 s5, $0x6;
	s10 =	smul.u32 $0xC800, s10  }
0xc: {  	p0 =	sgt.u32 s20, $0x7C;
	s18 =	smul.u32 $0xC800, s18;
	s8 =	sshrl.u32 s6, $0x1  }
0xd: {  	s30 =	sadd.s32 s3, s7;
	s0 =	sor.u32 s5, s9;
	s9 =	sor.u32 $0x40, s28  }
0xe: {  	s8 =	ssub.s32 s6, s8;
	s6 =	sor.u32 $0x30, s28;
	s16 =	sshrl.u32 s0, $0x3  }
0xf: {  	s17 =	smul.u32 $0x6400, s9;
	s3 =	sadd.s32 s3, s12;
	s13 =	sor.u32 s5, s13  }
0x10: {  	s7 =	sor.u32 s5, s22;
	s12 =	sor.u32 s5, s23;
	s22 =	smul.u32 $0xC800, s28  }
0x11: {  	s10 =	sshrl.u32 s10, $0x2;
	s29 =	sadd.s32 $0xC8000, s0;
	[dreg:$0x5] =	wrdreg s30  }
0x12: {  	s31 =	sadd.s32 $0x4B0, s30;
	s15 =	smul.u32 $0x6400, s6;
	[dreg:$0x6] =	wrdreg s3  }
0x13: {  	s3 =	sor.u32 $0x60, s28;
	s24 =	sadd.s32 s1, s16;
	s13 =	sshrl.u32 s13, $0x3  }
0x14: {  	s16 =	sadd.s32 s11, s16;
	s7 =	sshrl.u32 s7, $0x3;
	s8 =	smax.u32 s8, $0x1  }
0x15: {  	s19 =	smul.u32 $0x6400, s3;
	s17 =	sor.u32 s5, s17;
	[dreg:$0x7] =	wrdreg s24  }
0x16: {  	[dreg:$0x8] =	wrdreg s16;
	s7 =	sadd.s32 s11, s7;
	s23 =	sadd.s32 s11, s13  }
0x17: {  	s24 =	sadd.s32 s1, s13;
	[dreg:$0x11] =	wrdreg s8;
	s3 =	smul.u32 $0xC800, s3  }
0x18: {  	s8 =	simm.s32 $0x64C8;
	s15 =	sor.u32 s5, s15;
	[dreg:$0x9] =	wrdreg s7  }
0x19: {  	s26 =	sshrl.u32 s17, $0x3;
	s17 =	sshrl.u32 s12, $0x3;
	[dreg:$0xf] =	wrdreg s23  }
0x1a: {  	[dreg:$0x10] =	wrdreg s24;
	s23 =	sadd.s32 $0x12C000, s0;
	s24 =	sshrl.u32 s18, $0x2  }
0x1b: {  	s0 =	simm.s32 $0x3;
	s19 =	sor.u32 s5, s19;
	s5 =	sor.u32 s5, s21  }
0x1c: {  	s25 =	sshrl.u32 s15, $0x3;
	s16 =	sadd.s32 s11, s26;
	s26 =	smul.u32 $0xC800, s6  }
0x1d: {  	s3 =	sshrl.u32 s3, $0x2;
	s7 =	sadd.s32 s11, s25;
	[dreg:$0xb] =	wrdreg s16  }
0x1e: {  	s21 =	sshrl.u32 s19, $0x3;
	s5 =	sshrl.u32 s5, $0x3;
	s25 =	smul.u32 $0xC800, s14  }
0x1f: {  	s14 =	smul.u32 $0xC800, s9;
	s3 =	sadd.s32 s3, s2;
	s9 =	simm.s32 $0x3200  }
0x20: {  	[dreg:$0xa] =	wrdreg s7;
	s7 =	sadd.s32 s11, s17;
	s5 =	sadd.s32 s11, s5  }
0x21: {  	s13 =	sshrl.u32 s26, $0x2;
	s17 =	smul.u32 $0xC800, s20;
	[dreg:$0x14] =	wrdreg s3  }
0x22: {  	s26 =	sshrl.u32 s23, $0x3;
	s3 =	sadd.s32 s24, s2;
	[dreg:$0xc] =	wrdreg s7  }
0x23: {  	s7 =	sadd.s32 s11, s21;
	[dreg:$0xe] =	wrdreg s5;
	s5 =	sshrl.u32 s22, $0x2  }
0x24: {  	s21 =	sadd.s32 s10, s2;
	s12 =	sshrl.u32 s25, $0x2;
	s15 =	sadd.s32 s13, s2  }
0x25: {  	s16 =	sshrl.u32 s14, $0x2;
	[dreg:$0x15] =	wrdreg s3;
	s26 =	sadd.s32 s26, s1  }
0x26: {  	s3 =	simm.s32 $0x6400;
	s10 =	simm.s32 $0x1;
	s11 =	simm.s32 $0xC8  }
0x27: {  	s13 =	simm.s32 $0x2;
	s14 =	simm.s32 $0x0;
	[dreg:$0xd] =	wrdreg s7  }
0x28: {  	s19 =	sadd.s32 s5, s2;
	s5 =	sadd.s32 s12, s2;
	[dreg:$0x13] =	wrdreg s15  }
0x29: {  	s20 =	sadd.s32 s16, s2;
	s22 =	sshrl.u32 s17, $0x2;
	s7 =	simm.s32 $0x40  }
0x2a: {  	s12 =	simm.s32 $0x4;
	[dreg:$0x12] =	wrdreg s5;
	s28 =	sadd.s32 $0xFA000, s19  }
0x2b: {  	v0 =	vimm.f32 $0.0e+00;
	s25 =	sadd.s32 s22, s2;
	s5 =	simm.s32 $0x80;
	[dreg:$0x16] =	wrdreg s28  }
.LBB2_1:
0x2c: {  	s16 =	simm.s32 $0x100;
	s15 =	simm.s32 $0x0  }
.LBB2_2:
0x2d: {  	p3 =	sne.s32 s16, $0xC700;
	[tilespmem:s15+$0x30] =	vst v0;
	s17 =	smov.u32 s16;
	s16 =	sadd.s32 $0x100, s16  }
.Ltmp0:
0x2e: {  	[tilespmem:s15+$0x20] =	vst v0;
	(pc) =	sbr.rel @p3 .LBB2_2-.Ltmp0, $3  }
0x2f: {  	[tilespmem:s15+$0x0] =	vst v0  }
0x30: {  	[tilespmem:s15+$0x10] =	vst v0;
	_ =	sdelay $0x1  }
0x31: {  	s15 =	sshra.s32 s17, $0x2  }
0x32: {  	[tilespmem:s15+$0x30] =	vst v0  }
0x33: {  	[tilespmem:s15+$0x20] =	vst v0  }
0x34: {  	[tilespmem:s15+$0x0] =	vst v0  }
0x35: {  	[tilespmem:s15+$0x10] =	vst v0  }
0x36: {  	[spmem:s19] =	stream.linear.scatter [tilespmem:s4], [sflag:$0x3], $0x3200, $0x38;
	[tilespmem:$0x1EC30] =	vst v63  }
0x37: {  	_ = 	snop  }
0x38: {  	[spmem:s21] =	stream.linear.scatter [tilespmem:s4], [sflag:$0x3], $0x3200, $0x38;
	[tilespmem:$0x1EC30] =	vst v63  }
0x39: {  	s24 =	rddreg [dreg:$0x12]  }
0x3a: {  	[spmem:s24] =	stream.linear.scatter [tilespmem:s4], [sflag:$0x3], $0x3200, $0x38;
	[tilespmem:$0x1EC30] =	vst v63  }
0x3b: {  	s16 =	rddreg [dreg:$0x13]  }
0x3c: {  	[spmem:s16] =	stream.linear.scatter [tilespmem:s4], [sflag:$0x3], $0x3200, $0x38;
	[tilespmem:$0x1EC30] =	vst v63  }
0x3d: {  	_ = 	snop  }
0x3e: {  	[spmem:s20] =	stream.linear.scatter [tilespmem:s4], [sflag:$0x3], $0x3200, $0x38;
	[tilespmem:$0x1EC30] =	vst v63  }
0x3f: {  	s17 =	rddreg [dreg:$0x16]  }
0x40: {  	[spmem:s17] =	stream.linear.scatter [tilespmem:s4], [sflag:$0x3], $0x3200, $0x38;
	[tilespmem:$0x1EC30] =	vst v63  }
0x41: {  	s18 =	rddreg [dreg:$0x14]  }
0x42: {  	[spmem:s18] =	stream.linear.scatter [tilespmem:s4], [sflag:$0x3], $0x3200, $0x38;
	[tilespmem:$0x1EC30] =	vst v63  }
0x43: {  	s15 =	simm.s32 @!p0 $0x0  }
0x44: {  	[spmem:s25] =	stream.linear.scatter @!p0 [tilespmem:s15], [sflag:$0x3], $0x3200, $0x38;
	[tilespmem:$0x1EC30] =	vst v63  }
0x45: {  	_ =	swait.ge [sflag:s0], $0x3200  }
0x46: {  	[sflag:s0] =	ssyncset.done $0x0  }
0x47: {  	[sflag:s0] =	ssyncadd.s32 $0xFFFFCE00  }
0x48: {  	_ =	swait.ge [sflag:s0], $0x3200  }
0x49: {  	[sflag:s0] =	ssyncset.done $0x0  }
0x4a: {  	[sflag:s0] =	ssyncadd.s32 $0xFFFFCE00  }
0x4b: {  	_ =	swait.ge [sflag:s0], $0x3200  }
0x4c: {  	[sflag:s0] =	ssyncset.done $0x0  }
0x4d: {  	[sflag:s0] =	ssyncadd.s32 $0xFFFFCE00  }
0x4e: {  	_ =	swait.ge [sflag:s0], $0x3200  }
0x4f: {  	[sflag:s0] =	ssyncset.done $0x0  }
0x50: {  	[sflag:s0] =	ssyncadd.s32 $0xFFFFCE00  }
0x51: {  	_ =	swait.ge [sflag:s0], $0x3200  }
0x52: {  	[sflag:s0] =	ssyncset.done $0x0  }
0x53: {  	[sflag:s0] =	ssyncadd.s32 $0xFFFFCE00  }
0x54: {  	_ =	swait.ge [sflag:s0], $0x3200  }
0x55: {  	[sflag:s0] =	ssyncset.done $0x0  }
0x56: {  	[sflag:s0] =	ssyncadd.s32 $0xFFFFCE00  }
0x57: {  	_ =	swait.ge [sflag:s0], $0x3200  }
0x58: {  	[sflag:s0] =	ssyncset.done $0x0  }
0x59: {  	s15 =	simm.s32 @!p1 $0x3;
	[sflag:s0] =	ssyncadd.s32 $0xFFFFCE00  }
0x5a: {  	_ =	swait.ge @!p1 [sflag:s15], $0x3200  }
0x5b: {  	s22 =	smov.u32 s19;
	[sflag:s15] =	ssyncset.done @!p1 $0x0  }
0x5c: {  	s19 =	simm.s32 $0x0;
	s16 =	rddreg [dreg:$0x5];
	[sflag:s15] =	ssyncadd.s32 @!p1 $0xFFFFCE00  }
0x5d: {  	[tilespmem:s3], [sflag:$0x1] =	stream.linear.gather [hbm4b:s16+s19], $0xC8, $0x38;
	[tilespmem:$0x1EC30] =	vst v63  }
0x5e: {  	s24 =	smov.u32 s20;
	s20 =	rddreg [dreg:$0x7]  }
0x5f: {  	[tilespmem:s19], [sflag:$0x1] =	stream.strided.gather [hbm4b:s20+s7], $0x3200, s5, s7, $0x38;
	[tilespmem:$0x1EC30] =	vst v63  }
0x60: {  	s23 =	smov.u32 s21;
	s21 =	rddreg [dreg:$0x6]  }
0x61: {  	[tilespmem:s8], [sflag:$0x2] =	stream.linear.gather [hbm4b:s21+s19], $0xC8, $0x38;
	[tilespmem:$0x1EC30] =	vst v63  }
0x62: {  	s17 =	rddreg [dreg:$0x10]  }
0x63: {  	[tilespmem:s9], [sflag:$0x2] =	stream.strided.gather [hbm4b:s17+s7], $0x3200, s5, s7, $0x38;
	[tilespmem:$0x1EC30] =	vst v63  }
0x64: {  	[bflag:$0x0] =	sbarrier.arrive $0xFFFF  }
0x65: {  	_ =	swait.ge [sflag:s10], $0xC8  }
0x66: {  	[sflag:s10] =	ssyncset.done $0x0  }
0x67: {  	[sflag:s10] =	ssyncadd.s32 $0xFFFFFF38  }
0x68: {  	_ =	swait.ge [sflag:s10], $0x3200  }
0x69: {  	[sflag:s10] =	ssyncset.done $0x0  }
0x6a: {  	[sflag:s10] =	ssyncadd.s32 $0xFFFFCE00  }
0x6b: {  	[spmem:s2] =	stream.indirect.scatter.add.f32 [tilespmem:s4], [sflag:$0x4], $0x40, s3, s11, $0xb8;
	[tilespmem:$0x1EC30] =	vst v63  }
0x6c: {  	_ =	swait.ge [sflag:s12], $0x3200  }
0x6d: {  	[sflag:s12] =	ssyncset.done $0x0  }
0x6e: {  	s18 =	sadd.s32 $0xFFFFFE70, s31;
	s19 =	sshrl.u32 s29, $0x3;
	[sflag:s12] =	ssyncadd.s32 $0xFFFFCE00  }
0x6f: {  	[tilespmem:s3], [sflag:$0x1] =	stream.linear.gather [hbm4b:s18+s4], $0xC8, $0x38;
	[tilespmem:$0x1EC30] =	vst v63  }
0x70: {  	s20 =	sadd.s32 s1, s19  }
0x71: {  	[tilespmem:s4], [sflag:$0x1] =	stream.strided.gather [hbm4b:s20+s7], $0x3200, s5, s7, $0x38;
	[tilespmem:$0x1EC30] =	vst v63  }
0x72: {  	_ =	swait.ge [sflag:s13], $0xC8  }
0x73: {  	[sflag:s13] =	ssyncset.done $0x0  }
0x74: {  	[sflag:s13] =	ssyncadd.s32 $0xFFFFFF38  }
0x75: {  	_ =	swait.ge [sflag:s13], $0x3200  }
0x76: {  	s21 =	sadd.s32 $0x0, s6;
	[sflag:s13] =	ssyncset.done $0x0  }
0x77: {  	s28 =	smov.u32 s26;
	p4 =	sgt.u32 s21, $0x1F3;
	[sflag:s13] =	ssyncadd.s32 $0xFFFFCE00  }
0x78: {  	[spmem:s2] =	stream.indirect.scatter.add.f32 [tilespmem:s9], [sflag:$0x4], $0x40, s8, s11, $0xb8;
	[tilespmem:$0x1EC30] =	vst v63  }
0x79: {  	s15 =	simm.s32 $0x20;
	s16 =	simm.s32 @!p4 $0x0;
	_ =	swait.ge [sflag:s12], $0x3200  }
0x7a: {  	s17 =	simm.s32 @!p4 $0x64C8;
	s30 =	simm.s32 @!p4 $0x40;
	[sflag:s12] =	ssyncset.done $0x0  }
0x7b: {  	s21 =	simm.s32 @!p4 $0x3200;
	s18 =	sadd.s32 $0x320, s31;
	[sflag:s12] =	ssyncadd.s32 $0xFFFFCE00  }
0x7c: {  	[tilespmem:s17], [sflag:$0x2] =	stream.linear.gather @!p4 [hbm4b:s31+s16], $0xC8, $0x38;
	[tilespmem:$0x1EC30] =	vst v63  }
0x7d: {  	s20 =	simm.s32 @!p4 $0x80;
	s16 =	sadd.s32 $0x19000, s26;
	s17 =	sadd.s32 $0xC8000, s29  }
.LBB2_4:
0x7e: {  	[tilespmem:s21], [sflag:$0x2] =	stream.strided.gather @!p4 [hbm4b:s28+s30], $0x3200, s20, s30, $0x38;
	[tilespmem:$0x1EC30] =	vst v63  }
0x7f: {  	s20 =	smov.u32 s15;
	s15 =	sadd.s32 $0x20, s15;
	_ =	swait.ge [sflag:s10], $0xC8  }
0x80: {  	s28 =	smov.u32 s16;
	p3 =	sne.s32 s15, $0x1E0;
	[sflag:s10] =	ssyncset.done $0x0  }
0x81: {  	s21 =	smov.u32 s18;
	[sflag:s10] =	ssyncadd.s32 $0xFFFFFF38  }
0x82: {  	_ =	swait.ge [sflag:s10], $0x3200  }
0x83: {  	[sflag:s10] =	ssyncset.done $0x0  }
0x84: {  	[sflag:s10] =	ssyncadd.s32 $0xFFFFCE00  }
0x85: {  	[spmem:s2] =	stream.indirect.scatter.add.f32 [tilespmem:s4], [sflag:$0x4], $0x40, s3, s11, $0xb8;
	[tilespmem:$0x1EC30] =	vst v63  }
0x86: {  	_ =	swait.ge [sflag:s12], $0x3200  }
0x87: {  	[sflag:s12] =	ssyncset.done $0x0  }
0x88: {  	s30 =	sadd.s32 $0xFFFFFE70, s18;
	s19 =	sshrl.u32 s17, $0x3;
	[sflag:s12] =	ssyncadd.s32 $0xFFFFCE00  }
0x89: {  	[tilespmem:s3], [sflag:$0x1] =	stream.linear.gather [hbm4b:s30+s4], $0xC8, $0x38;
	[tilespmem:$0x1EC30] =	vst v63  }
0x8a: {  	s19 =	sadd.s32 s1, s19  }
0x8b: {  	[tilespmem:s4], [sflag:$0x1] =	stream.strided.gather [hbm4b:s19+s7], $0x3200, s5, s7, $0x38;
	[tilespmem:$0x1EC30] =	vst v63  }
0x8c: {  	_ =	swait.ge [sflag:s13], $0xC8  }
0x8d: {  	[sflag:s13] =	ssyncset.done $0x0  }
0x8e: {  	[sflag:s13] =	ssyncadd.s32 $0xFFFFFF38  }
0x8f: {  	_ =	swait.ge [sflag:s13], $0x3200  }
0x90: {  	[sflag:s13] =	ssyncset.done $0x0  }
0x91: {  	s16 =	sadd.s32 $0x19000, s16;
	s17 =	sadd.s32 $0xC8000, s17;
	[sflag:s13] =	ssyncadd.s32 $0xFFFFCE00  }
0x92: {  	[spmem:s2] =	stream.indirect.scatter.add.f32 [tilespmem:s9], [sflag:$0x4], $0x40, s8, s11, $0xb8;
	[tilespmem:$0x1EC30] =	vst v63  }
.Ltmp1:
0x93: {  	s19 =	sadd.s32 s20, s6;
	_ =	swait.ge [sflag:s12], $0x3200;
	(pc) =	sbr.rel @p3 .LBB2_4-.Ltmp1, $4  }
0x94: {  	s18 =	sadd.s32 $0x320, s18;
	p4 =	sgt.u32 s19, $0x1F3;
	[sflag:s12] =	ssyncset.done $0x0  }
0x95: {  	s19 =	simm.s32 @!p4 $0x0;
	s20 =	simm.s32 @!p4 $0x64C8;
	[sflag:s12] =	ssyncadd.s32 $0xFFFFCE00  }
0x96: {  	[tilespmem:s20], [sflag:$0x2] =	stream.linear.gather @!p4 [hbm4b:s21+s19], $0xC8, $0x38;
	[tilespmem:$0x1EC30] =	vst v63  }
0x97: {  	s30 =	simm.s32 @!p4 $0x40;
	s20 =	simm.s32 @!p4 $0x80;
	s21 =	simm.s32 @!p4 $0x3200  }
0x98: {  	[tilespmem:s21], [sflag:$0x2] =	stream.strided.gather @!p4 [hbm4b:s28+s30], $0x3200, s20, s30, $0x38;
	[tilespmem:$0x1EC30] =	vst v63  }
0x99: {  	_ =	swait.ge [sflag:s10], $0xC8  }
0x9a: {  	[sflag:s10] =	ssyncset.done $0x0  }
0x9b: {  	[sflag:s10] =	ssyncadd.s32 $0xFFFFFF38  }
0x9c: {  	_ =	swait.ge [sflag:s10], $0x3200  }
0x9d: {  	[sflag:s10] =	ssyncset.done $0x0  }
0x9e: {  	[sflag:s10] =	ssyncadd.s32 $0xFFFFCE00  }
0x9f: {  	[spmem:s2] =	stream.indirect.scatter.add.f32 [tilespmem:s4], [sflag:$0x4], $0x40, s3, s11, $0xb8;
	[tilespmem:$0x1EC30] =	vst v63  }
0xa0: {  	_ =	swait.ge [sflag:s12], $0x3200  }
0xa1: {  	[sflag:s12] =	ssyncset.done $0x0  }
0xa2: {  	s15 =	simm.s32 @!p2 $0x2;
	[sflag:s12] =	ssyncadd.s32 $0xFFFFCE00  }
0xa3: {  	_ =	swait.ge @!p2 [sflag:s15], $0xC8  }
0xa4: {  	[sflag:s15] =	ssyncset.done @!p2 $0x0  }
0xa5: {  	[sflag:s15] =	ssyncadd.s32 @!p2 $0xFFFFFF38  }
0xa6: {  	_ =	swait.ge @!p2 [sflag:s15], $0x3200  }
0xa7: {  	s16 =	simm.s32 @!p2 $0x64C8;
	[sflag:s15] =	ssyncset.done @!p2 $0x0  }
0xa8: {  	s17 =	simm.s32 @!p2 $0x3200;
	[sflag:s15] =	ssyncadd.s32 @!p2 $0xFFFFCE00;
	s15 =	simm.s32 @!p2 $0xC8  }
0xa9: {  	[spmem:s2] =	stream.indirect.scatter.add.f32 @!p2 [tilespmem:s17], [sflag:$0x4], $0x40, s16, s15, $0xb8;
	[tilespmem:$0x1EC30] =	vst v63  }
0xaa: {  	s15 =	simm.s32 @!p2 $0x4  }
0xab: {  	_ =	swait.ge @!p2 [sflag:s15], $0x3200  }
0xac: {  	[sflag:s15] =	ssyncset.done @!p2 $0x0  }
0xad: {  	[sflag:s15] =	ssyncadd.s32 @!p2 $0xFFFFCE00  }
0xae: {  	[bflag:$0x0] =	sbarrier.arrive $0xFFFF  }
0xaf: {  	[tilespmem:s4], [sflag:$0x4] =	stream.linear.gather [spmem:s22], $0x3200, $0x38;
	[tilespmem:$0x1EC30] =	vst v63  }
0xb0: {  	_ =	swait.ge [sflag:s12], $0x3200  }
0xb1: {  	[sflag:s12] =	ssyncset.done $0x0  }
0xb2: {  	s19 =	smov.u32 s22;
	s22 =	rddreg [dreg:$0x8];
	[sflag:s12] =	ssyncadd.s32 $0xFFFFCE00  }
0xb3: {  	[hbm4b:s22+s7] =	stream.strided.scatter [tilespmem:s4], [sflag:$0x1], $0x3200, s5, s7, $0x38;
	[tilespmem:$0x1EC30] =	vst v63  }
0xb4: {  	_ = 	snop  }
0xb5: {  	[tilespmem:s9], [sflag:$0x4] =	stream.linear.gather [spmem:s23], $0x3200, $0x38;
	[tilespmem:$0x1EC30] =	vst v63  }
0xb6: {  	_ =	swait.ge [sflag:s12], $0x3200  }
0xb7: {  	[sflag:s12] =	ssyncset.done $0x0  }
0xb8: {  	s21 =	smov.u32 s23;
	s23 =	rddreg [dreg:$0xf];
	[sflag:s12] =	ssyncadd.s32 $0xFFFFCE00  }
0xb9: {  	[hbm4b:s23+s7] =	stream.strided.scatter [tilespmem:s9], [sflag:$0x2], $0x3200, s5, s7, $0x38;
	[tilespmem:$0x1EC30] =	vst v63  }
0xba: {  	_ =	swait.ge [sflag:s10], $0x3200  }
0xbb: {  	[sflag:s10] =	ssyncset.done $0x0  }
0xbc: {  	s28 =	rddreg [dreg:$0x12];
	[sflag:s10] =	ssyncadd.s32 $0xFFFFCE00  }
0xbd: {  	[tilespmem:s4], [sflag:$0x4] =	stream.linear.gather [spmem:s28], $0x3200, $0x38;
	[tilespmem:$0x1EC30] =	vst v63  }
0xbe: {  	_ =	swait.ge [sflag:s12], $0x3200  }
0xbf: {  	[sflag:s12] =	ssyncset.done $0x0  }
0xc0: {  	s30 =	rddreg [dreg:$0x9];
	[sflag:s12] =	ssyncadd.s32 $0xFFFFCE00  }
0xc1: {  	[hbm4b:s30+s7] =	stream.strided.scatter [tilespmem:s4], [sflag:$0x1], $0x3200, s5, s7, $0x38;
	[tilespmem:$0x1EC30] =	vst v63  }
0xc2: {  	_ =	swait.ge [sflag:s13], $0x3200  }
0xc3: {  	[sflag:s13] =	ssyncset.done $0x0  }
0xc4: {  	s16 =	rddreg [dreg:$0x13];
	[sflag:s13] =	ssyncadd.s32 $0xFFFFCE00  }
0xc5: {  	[tilespmem:s9], [sflag:$0x4] =	stream.linear.gather [spmem:s16], $0x3200, $0x38;
	[tilespmem:$0x1EC30] =	vst v63  }
0xc6: {  	_ =	swait.ge [sflag:s12], $0x3200  }
0xc7: {  	[sflag:s12] =	ssyncset.done $0x0  }
0xc8: {  	s17 =	rddreg [dreg:$0xa];
	[sflag:s12] =	ssyncadd.s32 $0xFFFFCE00  }
0xc9: {  	[hbm4b:s17+s7] =	stream.strided.scatter [tilespmem:s9], [sflag:$0x2], $0x3200, s5, s7, $0x38;
	[tilespmem:$0x1EC30] =	vst v63  }
0xca: {  	_ =	swait.ge [sflag:s10], $0x3200  }
0xcb: {  	[sflag:s10] =	ssyncset.done $0x0  }
0xcc: {  	[sflag:s10] =	ssyncadd.s32 $0xFFFFCE00  }
0xcd: {  	[tilespmem:s4], [sflag:$0x4] =	stream.linear.gather [spmem:s24], $0x3200, $0x38;
	[tilespmem:$0x1EC30] =	vst v63  }
0xce: {  	_ =	swait.ge [sflag:s12], $0x3200  }
0xcf: {  	[sflag:s12] =	ssyncset.done $0x0  }
0xd0: {  	s18 =	rddreg [dreg:$0xb];
	[sflag:s12] =	ssyncadd.s32 $0xFFFFCE00  }
0xd1: {  	[hbm4b:s18+s7] =	stream.strided.scatter [tilespmem:s4], [sflag:$0x1], $0x3200, s5, s7, $0x38;
	[tilespmem:$0x1EC30] =	vst v63  }
0xd2: {  	_ =	swait.ge [sflag:s13], $0x3200  }
0xd3: {  	[sflag:s13] =	ssyncset.done $0x0  }
0xd4: {  	s22 =	rddreg [dreg:$0x15];
	[sflag:s13] =	ssyncadd.s32 $0xFFFFCE00  }
0xd5: {  	[tilespmem:s9], [sflag:$0x4] =	stream.linear.gather [spmem:s22], $0x3200, $0x38;
	[tilespmem:$0x1EC30] =	vst v63  }
0xd6: {  	_ =	swait.ge [sflag:s12], $0x3200  }
0xd7: {  	[sflag:s12] =	ssyncset.done $0x0  }
0xd8: {  	s23 =	rddreg [dreg:$0xc];
	[sflag:s12] =	ssyncadd.s32 $0xFFFFCE00  }
0xd9: {  	[hbm4b:s23+s7] =	stream.strided.scatter [tilespmem:s9], [sflag:$0x2], $0x3200, s5, s7, $0x38;
	[tilespmem:$0x1EC30] =	vst v63  }
0xda: {  	_ =	swait.ge [sflag:s10], $0x3200  }
0xdb: {  	[sflag:s10] =	ssyncset.done $0x0  }
0xdc: {  	s20 =	smov.u32 s24;
	s24 =	rddreg [dreg:$0x14];
	[sflag:s10] =	ssyncadd.s32 $0xFFFFCE00  }
0xdd: {  	[tilespmem:s4], [sflag:$0x4] =	stream.linear.gather [spmem:s24], $0x3200, $0x38;
	[tilespmem:$0x1EC30] =	vst v63  }
0xde: {  	_ =	swait.ge [sflag:s12], $0x3200  }
0xdf: {  	[sflag:s12] =	ssyncset.done $0x0  }
0xe0: {  	s15 =	simm.s32 @!p0 $0x2;
	s28 =	rddreg [dreg:$0xd];
	[sflag:s12] =	ssyncadd.s32 $0xFFFFCE00  }
0xe1: {  	[hbm4b:s28+s7] =	stream.strided.scatter [tilespmem:s4], [sflag:$0x1], $0x3200, s5, s7, $0x38;
	[tilespmem:$0x1EC30] =	vst v63  }
0xe2: {  	_ =	swait.ge @!p0 [sflag:s15], $0x3200  }
0xe3: {  	[sflag:s15] =	ssyncset.done @!p0 $0x0  }
0xe4: {  	s16 =	simm.s32 @!p0 $0x4;
	[sflag:s15] =	ssyncadd.s32 @!p0 $0xFFFFCE00;
	s15 =	simm.s32 @!p0 $0x3200  }
0xe5: {  	[tilespmem:s15], [sflag:$0x4] =	stream.linear.gather @!p0 [spmem:s25], $0x3200, $0x38;
	[tilespmem:$0x1EC30] =	vst v63  }
0xe6: {  	_ =	swait.ge @!p0 [sflag:s16], $0x3200  }
0xe7: {  	s17 =	simm.s32 @!p0 $0x80;
	[sflag:s16] =	ssyncset.done @!p0 $0x0  }
0xe8: {  	s18 =	rddreg [dreg:$0xe];
	[sflag:s16] =	ssyncadd.s32 @!p0 $0xFFFFCE00;
	s16 =	simm.s32 @!p0 $0x40  }
0xe9: {  	[hbm4b:s18+s16] =	stream.strided.scatter @!p0 [tilespmem:s15], [sflag:$0x2], $0x3200, s17, s16, $0x38;
	[tilespmem:$0x1EC30] =	vst v63  }
0xea: {  	_ =	swait.ge [sflag:s10], $0x3200  }
0xeb: {  	[sflag:s10] =	ssyncset.done $0x0  }
0xec: {  	[sflag:s10] =	ssyncadd.s32 $0xFFFFCE00  }
0xed: {  	_ =	swait.ge [sflag:s13], $0x3200  }
0xee: {  	s14 =	sadd.s32 $0x1, s14;
	s30 =	rddreg [dreg:$0x11]  }
0xef: {  	p3 =	sne.s32 s14, s30  }
.Ltmp2:
0xf0: {  	_ = 	snop;
	(pc) =	sbr.rel @p3 .LBB2_1-.Ltmp2, $3  }
0xf1: {  	_ =	sdelay $0x1  }
0xf2: {  	[sflag:s13] =	ssyncset.done $0x0  }
0xf3: {  	[sflag:s13] =	ssyncadd.s32 $0xFFFFCE00  }
0xf4: {  	_ =	sfence.sel $0x180000  }
0xf5: {  	[bflag:$0x0] =	sbarrier.arrive $0xFFFF  }
0xf6: {  	_ =	strace $0x90000047  }
0xf7: {  	s0 =	stileid.u32;
	[bflag:$0x2] =	sbarrier.arrive $0xFFFF  }
0xf8: {  	p0 =	sne.s32 s0, $0x0;
	s0 =	rddreg [dreg:$0x4]  }
0xf9: {  	s0 =	sadd.s32 @!p0 $0x100000, s0  }
0xfa: {  	[sflag:s0] =	ssyncadd.tile.s32 @!p0 $0x1;
	_ =	shalt  }
.Lfunc_end2:
_tile_overlayer_lowered:
.L_overlay_start_2:
0xfb: {  	(tag) =	ssettag $0x2  }
0xfc: {  	s0 =	rddreg [dreg:$0x0];
	s2 =	stileid.u32  }
0xfd: {  	s1 =	rddreg [dreg:$0x1];
	p0 =	sne.s32 s2, $0x0  }
0xfe: {  	s3 =	rddreg [dreg:$0x2];
	[bflag:$0x3] =	sbarrier.arrive $0xFFFF;
	s2 =	simm.s32 @!p0 $0x1C04  }
0xff: {  	[timem:s3], [sflag:s2] =	dma.local @!p0 [hbm:s0], s1  }
0x100: {  	s0 =	simm.s32 @!p0 $0x4  }
0x101: {  	_ =	swait.ge @!p0 [sflag:s0], s1  }
0x102: {  	s1 =	ssub.s32 @!p0 $0x0, s1;
	[sflag:s0] =	ssyncset.done @!p0 $0x0  }
0x103: {  	[sflag:s0] =	ssyncadd.s32 @!p0 s1  }
0x104: {  	[bflag:$0x3] =	sbarrier.arrive $0xFFFF  }
0x105: {  	_ =	shalt  }

// kernel: kernel.9.cloned.1.call-start
scs
__scs_entry_jumppad:
0x0: {  	(pc) =	sbr.rel $0x88, $3  }
0x1: {  	(tag) =	ssettag $0x0;
	lr =	simm.s32 $0x1  }
0x2: {  	[smem:$0x3F8C] =	sst lr;
	_ =	strace $0xD0000000  }
0x3: {  	_ = 	snop  }
0x4: {  	_ = 	snop  }
0x5: {  	_ = 	snop  }
0x6: {  	_ = 	snop  }
0x7: {  	_ = 	snop  }
__scs_overlays_trampoline_lowered:
0x8: {  	[smem:$0x3F9B] =	sst s0  }
0x9: {  	[smem:$0x3F9C] =	sst s1  }
0xa: {  	[smem:$0x3F9D] =	sst s2  }
0xb: {  	[smem:$0x3F9E] =	sst s3  }
0xc: {  	[smem:$0x3F9F] =	sst s4  }
0xd: {  	[smem:$0x3FA0] =	sst s5  }
0xe: {  	[smem:$0x3FA1] =	sst s6  }
0xf: {  	[smem:$0x3FA2] =	sst s7  }
0x10: {  	[smem:$0x3FA3] =	sst s8  }
0x11: {  	[smem:$0x3FA4] =	sst s9;
	s0 =	simm.s32 @!p0 $0x0  }
0x12: {  	s1 =	sld [smem:$0x3F8A];
	s0 =	simm.s32 @p0 $0x1  }
0x13: {  	[smem:$0x3FA5] =	sst s0;
	s0 =	simm.s32 @!p1 $0x0  }
0x14: {  	s2 =	sld [smem:$0x3F89];
	s0 =	simm.s32 @p1 $0x1  }
0x15: {  	[smem:$0x3FA6] =	sst s0;
	s0 =	simm.s32 @!p2 $0x0  }
0x16: {  	s3 =	sld [smem:$0x3FDB];
	s0 =	simm.s32 @p2 $0x1  }
0x17: {  	s4 =	simm.s32 $0x1BF5;
	[smem:$0x3FA8] =	sst s0  }
0x18: {  	s0 =	sld [smem:$0x3F8B];
	_ =	swait.ge [sflag:s4], $0x0  }
0x19: {  	s7 =	sld [smem:$0x3F8C]  }
0x1a: {  	s8 =	sadd.s32 $0xFFFFE003, lr  }
0x1b: {  	s9 =	sadd.s32 $0xFFFFFEF7, lr;
	s5 =	simm.s32 $0xFFFFFFFF;
	p2 =	slt.u32 s8, $0xFFFFF086  }
0x1c: {  	p1 =	slt.u32 s9, $0xF7A;
	s5 =	simm.s32 @!p2 $0x0  }
0x1d: {  	s5 =	simm.s32 @p1 $0x1;
	p0 =	seq.s32 s7, s2  }
0x1e: {  	s7 =	smul.u32 @!p0 $0xF7A, s2;
	p2 =	seq.s32 @!p0 s5, $0x0  }
0x1f: {  	s9 =	smul.u32 $0xF7A, s1;
	s8 =	simm.s32 @!p0 $0x1BF5;
	p2 =	por !p2, p0  }
0x20: {  	[sflag:s8] =	ssyncset.s32 @!p0 $0xFFFFF086;
	s6 =	sadd.s32 @!p0 s3, s7;
	s7 =	simm.s32 @!p0 $0x108  }
0x21: {  	s3 =	sadd.s32 s3, s9;
	s6 =	sadd.s32 @!p0 $0x88, s6;
	s7 =	simm.s32 @p2 $0x1082  }
0x22: {  	[simem:s7], [sflag:s8] =	dma.local @!p0 [hbm:s6], $0xF7A  }
0x23: {  	s9 =	sor.u32 $0xD0000000, s2;
	s6 =	simm.s32 $0x108;
	_ =	swait.ge @!p0 [sflag:s8], $0x0  }
0x24: {  	s3 =	sadd.s32 $0x88, s3;
	s6 =	simm.s32 @!p1 $0x1082;
	[sflag:s4] =	ssyncset.s32 $0xFFFFF086  }
0x25: {  	[simem:s6], [sflag:s4] =	dma.local [hbm:s3], $0xF7A  }
0x26: {  	[smem:$0x3F8C] =	sst s1;
	(tag) =	ssettag s2;
	_ =	strace s9  }
0x27: {  	s1 =	sld [smem:$0x3F9C]  }
0x28: {  	s2 =	sld [smem:$0x3F9D]  }
0x29: {  	s4 =	sld [smem:$0x3F9F]  }
0x2a: {  	p0 =	seq.s32 s5, $0x0;
	s5 =	sld [smem:$0x3FA0]  }
0x2b: {  	s6 =	sld [smem:$0x3FA1]  }
0x2c: {  	s7 =	sld [smem:$0x3FA2]  }
0x2d: {  	s3 =	simm.s32 $0x108;
	s8 =	sld [smem:$0x3FA3]  }
0x2e: {  	s3 =	simm.s32 @!p0 $0x1082;
	s9 =	sld [smem:$0x3FA4]  }
0x2f: {  	lr =	sadd.s32 s0, s3;
	s0 =	sld [smem:$0x3F9B]  }
0x30: {  	s3 =	sld [smem:$0x3F9E]  }
0x31: {  	[smem:$0x3FA7] =	sst s10  }
0x32: {  	s10 =	sld [smem:$0x3FA5];
	_ =	sdelay $0x3  }
0x33: {  	p0 =	seq.s32 s10, $0x1;
	s10 =	sld [smem:$0x3FA7];
	_ =	sdelay $0x3  }
0x34: {  	[smem:$0x3FA7] =	sst s10  }
0x35: {  	s10 =	sld [smem:$0x3FA6];
	_ =	sdelay $0x3  }
0x36: {  	p1 =	seq.s32 s10, $0x1;
	s10 =	sld [smem:$0x3FA7];
	_ =	sdelay $0x3  }
0x37: {  	[smem:$0x3FA7] =	sst s10  }
0x38: {  	s10 =	sld [smem:$0x3FA8]  }
0x39: {  	_ = 	snop;
	(pc) =	sbr.ind lr, $3  }
0x3a: {  	_ = 	snop  }
0x3b: {  	_ = 	snop  }
0x3c: {  	p2 =	seq.s32 s10, $0x1;
	s10 =	sld [smem:$0x3FA7]  }
0x3d: {  	_ =	shalt  }
0x3e: {  	_ =	shalt  }
0x3f: {  	_ =	shalt  }
0x40: {  	_ =	shalt  }
0x41: {  	_ =	shalt  }
0x42: {  	_ =	shalt  }
0x43: {  	_ =	shalt  }
0x44: {  	_ =	shalt  }
0x45: {  	_ =	shalt  }
0x46: {  	_ =	shalt  }
0x47: {  	_ =	shalt  }
0x48: {  	_ =	shalt  }
0x49: {  	_ =	shalt  }
0x4a: {  	_ =	shalt  }
0x4b: {  	_ =	shalt  }
0x4c: {  	_ =	shalt  }
0x4d: {  	_ =	shalt  }
0x4e: {  	_ =	shalt  }
0x4f: {  	_ =	shalt  }
0x50: {  	_ =	shalt  }
0x51: {  	_ =	shalt  }
0x52: {  	_ =	shalt  }
0x53: {  	_ =	shalt  }
0x54: {  	_ =	shalt  }
0x55: {  	_ =	shalt  }
0x56: {  	_ =	shalt  }
0x57: {  	_ =	shalt  }
0x58: {  	_ =	shalt  }
0x59: {  	_ =	shalt  }
0x5a: {  	_ =	shalt  }
0x5b: {  	_ =	shalt  }
0x5c: {  	_ =	shalt  }
0x5d: {  	_ =	shalt  }
0x5e: {  	_ =	shalt  }
0x5f: {  	_ =	shalt  }
0x60: {  	_ =	shalt  }
0x61: {  	_ =	shalt  }
0x62: {  	_ =	shalt  }
0x63: {  	_ =	shalt  }
0x64: {  	_ =	shalt  }
0x65: {  	_ =	shalt  }
0x66: {  	_ =	shalt  }
0x67: {  	_ =	shalt  }
0x68: {  	_ =	shalt  }
0x69: {  	_ =	shalt  }
0x6a: {  	_ =	shalt  }
0x6b: {  	_ =	shalt  }
0x6c: {  	_ =	shalt  }
0x6d: {  	_ =	shalt  }
0x6e: {  	_ =	shalt  }
0x6f: {  	_ =	shalt  }
0x70: {  	_ =	shalt  }
0x71: {  	_ =	shalt  }
0x72: {  	_ =	shalt  }
0x73: {  	_ =	shalt  }
0x74: {  	_ =	shalt  }
0x75: {  	_ =	shalt  }
0x76: {  	_ =	shalt  }
0x77: {  	_ =	shalt  }
0x78: {  	_ =	shalt  }
0x79: {  	_ =	shalt  }
0x7a: {  	_ =	shalt  }
0x7b: {  	_ =	shalt  }
0x7c: {  	_ =	shalt  }
0x7d: {  	_ =	shalt  }
0x7e: {  	_ =	shalt  }
0x7f: {  	_ =	shalt  }
0x80: {  	_ =	shalt  }
0x81: {  	_ =	shalt  }
0x82: {  	_ =	shalt  }
0x83: {  	_ =	shalt  }
0x84: {  	_ =	shalt  }
0x85: {  	_ =	shalt  }
0x86: {  	_ =	shalt  }
0x87: {  	_ =	shalt  }
.Lfunc_end0:
.L_simem_size_0:
called_computation.1_lowered:
.L_overlay_start_0:
0x88: {  	s2 =	sld [smem:$0x3FD9]  }
0x89: {  	s3 =	sld [smem:$0x3FFE];
	_ =	sdelay $0x1  }
0x8a: {  	s1 =	srdreg.scid  }
0x8b: {  	s0 =	sand.u32 $0x1, s1  }
0x8c: {  	s17 =	sshll.u32 s0, $0xA;
	s2 =	sadd.s32 s3, s2  }
0x8d: {  	s2 =	sadd.s32 s2, s17  }
0x8e: {  	[smem:$0x3FB3] =	sst s2  }
0x8f: {  	_ = 	snop  }
0x90: {  	s2 =	sld [smem:$0x3FC7];
	(tm) =	ssettm $0x1  }
0x91: {  	s18 =	sld [smem:$0x3FFB];
	_ =	sdelay $0x3  }
0x92: {  	_ =	strace s18  }
0x93: {  	s3 =	sld [smem:$0x3FFC];
	_ =	sdelay $0x3  }
0x94: {  	_ =	strace s3  }
0x95: {  	s3 =	sld [smem:$0x3FFD];
	_ =	sdelay $0x3  }
0x96: {  	_ =	strace s3  }
0x97: {  	_ =	strace $0x8FFFFFFF  }
0x98: {  	s19 =	sld [smem:$0x3FDB];
	_ =	sdelay $0x1  }
0x99: {  	s4 =	simm.s32 $_scs_section_size  }
0x9a: {  	s5 =	simm.s32 $_size__tile_overlayer_lowered;
	s6 =	simm.s32 $_tile_overlayer_lowered  }
0x9b: {  	s22 =	simm.s32 $0x1BFF;
	s21 =	sshll.u32 s6, $0x1;
	s3 =	sadd.s32 s4, s19  }
0x9c: {  	s7 =	simm.s32 $0x0;
	s20 =	sshll.u32 s5, $0x1;
	s5 =	sadd.s32 s21, s3  }
0x9d: {  	[timem:s7], [sflag:s22] =	dma.local [hbm:s5], s20  }
0x9e: {  	_ =	swait.ge [sflag:s22], s20  }
0x9f: {  	s4 =	ssub.s32 $0x0, s20;
	[sflag:s22] =	ssyncset.done $0x0  }
0xa0: {  	[sflag:s22] =	ssyncadd.s32 s4;
	_ =	sdelay $0x1  }
0xa1: {  	s23 =	simm.s32 $0x1B8B  }
0xa2: {  	_ =	swait.ge [sflag:s23], $0x1  }
0xa3: {  	[sflag:s23] =	ssyncset.done $0x0  }
0xa4: {  	s25 =	simm.s32 $0x1B8E;
	s24 =	sld [smem:$0x3FFE];
	[sflag:s23] =	ssyncadd.s32 $0xFFFFFFFF  }
0xa5: {  	s26 =	simm.s32 $execute0_lowered;
	[smem:$0x3FD2] =	sst s25  }
0xa6: {  	s5 =	sshll.u32 s26, $0x1;
	_ =	strace $0x80000049;
	[dreg:$0x1] =	wrdreg $0xFFFFFFFF  }
0xa7: {  	s28 =	simm.s32 $_size_execute0_lowered;
	s3 =	sadd.s32 s3, s5;
	[dreg:$0x0] =	wrdreg $0x0  }
0xa8: {  	s5 =	sshll.u32 s28, $0x1;
	[dreg:$0x2] =	wrdreg s3  }
0xa9: {  	[dreg:$0x3] =	wrdreg s5  }
0xaa: {  	[dreg:$0x4] =	wrdreg $0xC0  }
0xab: {  	_ =	task [dreg:s7], $0x5FFFF  }
0xac: {  	[dreg:$0x1] =	wrdreg $0xFFFFFFFF  }
0xad: {  	[dreg:$0x0] =	wrdreg $0x60  }
0xae: {  	[dreg:$0x2] =	wrdreg s24  }
0xaf: {  	[dreg:$0x3] =	wrdreg s2  }
0xb0: {  	[dreg:$0x4] =	wrdreg $0x65900  }
0xb1: {  	[dreg:$0x5] =	wrdreg $0x9  }
0xb2: {  	_ =	task.clear_ibuf [dreg:s7], $0x6FFFF;
	_ =	strace $0x90000049  }
0xb3: {  	s29 =	simm.s32 $0x9;
	_ =	strace $0x8000004B  }
0xb4: {  	_ =	swait.ge [sflag:s29], $0x1  }
0xb5: {  	[sflag:s29] =	ssyncadd.s32 $0xFFFFFFFF  }
0xb6: {  	_ =	strace $0x9000004B  }
0xb7: {  	_ =	sfence  }
0xb8: {  	s30 =	sld [smem:$0x0];
	_ =	sdelay $0x2  }
0xb9: {  	s31 =	sshll.u32 s1, $0xD;
	s1 =	sshrl.u32 s1, $0x2  }
0xba: {  	s3 =	sand.u32 $0x4000, s31;
	s1 =	sadd.s32 s1, s30  }
0xbb: {  	s0 =	sor.u32 s3, s0;
	s1 =	sshll.u32 s1, $0x11  }
0xbc: {  	s0 =	sor.u32 s1, s0  }
0xbd: {  	s0 =	sadd.s32 $0x8F2B, s0  }
0xbe: {  	[sflag:s0] =	ssyncadd.remote.s32 $0x1  }
0xbf: {  	_ =	sfence.sel $0xFFFF  }
0xc0: {  	[dreg:$0x0] =	wrdreg $0xFFFFFFFF;
	(pc) =	sbr.abs _section_cstart, $3  }
0xc1: {  	[dreg:$0x1] =	wrdreg $0xFFFFFFFF  }
0xc2: {  	_ =	task.clear_ibuf [dreg:s7], $0x2FFFF;
	_ =	strace $0x9FFFFFFF  }
0xc3: {  	(tm) =	ssettm $0x7FFFFFFF  }
tec
execute0_lowered:
.L_overlay_start_1:
0x0: {  	(tag) =	ssettag $0x1  }
0x1: {  	s0 =	rddreg [dreg:$0x0]  }
0x2: {  	s3 =	rddreg [dreg:$0x1]  }
0x3: {  	s1 =	rddreg [dreg:$0x2];
	s2 =	simm.s32 $0x0  }
0x4: {  	s4 =	srdreg.scid;
	s17 =	stileid.u32;
	s28 =	simm.s32 $0xC8  }
0x5: {  	s29 =	simm.s32 $0x4;
	s30 =	simm.s32 $0x2;
	s31 =	simm.s32 $0x0  }
0x6: {  	[smem:$0x7FF] =	sst s2;
	s6 =	sand.u32 $0x1, s4;
	s8 =	smul.u32 $0x19, s17  }
0x7: {  	s4 =	sadd.s32 $0x3000, s0;
	s0 =	sadd.s32 $0x64C00, s0;
	s9 =	smul.u32 $0x6400, s17  }
0x8: {  	s10 =	sor.u32 $0x10, s17;
	s15 =	smul.u32 $0xC800, s17;
	s23 =	ssub.s32 $0x1E, s17  }
0x9: {  	p0 =	seq.s32 s17, $0xF;
	p2 =	sgt.u32 s17, $0xC;
	s12 =	smul.u32 $0x6400, s10  }
0xa: {  	p3 =	sne.s32 s17, $0xF;
	_ =	strace $0x8000004A;
	s26 =	smul.u32 $0x19, s10  }
0xb: {  	s5 =	ssub.s32 $0x2, s6;
	s11 =	sshll.u32 s6, $0x6;
	s18 =	smul.u32 $0xC800, s10  }
0xc: {  	s6 =	sshll.u32 s6, $0x3;
	s7 =	sshrl.u32 s5, $0x1;
	s16 =	sadd.s32 s3, s8  }
0xd: {  	s9 =	sor.u32 s11, s9;
	s20 =	sshrl.u32 s15, $0x2;
	s7 =	ssub.s32 s5, s7  }
0xe: {  	s5 =	sadd.s32 $0x60E00, s1;
	s13 =	sshrl.u32 s9, $0x3;
	s11 =	sor.u32 s11, s12  }
0xf: {  	s3 =	sadd.s32 s3, s26;
	s10 =	sadd.s32 s20, s1;
	s22 =	sshrl.u32 s18, $0x2  }
0x10: {  	s26 =	sadd.s32 $0x12C000, s9;
	s15 =	smov.u32 s16;
	s16 =	sadd.s32 $0x4B0, s16  }
0x11: {  	s18 =	sor.u32 $0x30, s17;
	s20 =	simm.s32 $0x3;
	s14 =	sadd.s32 s4, s13  }
0x12: {  	s11 =	sshrl.u32 s11, $0x3;
	[dreg:$0x5] =	wrdreg s3;
	s21 =	sadd.s32 s0, s13  }
0x13: {  	s12 =	sadd.s32 s22, s1;
	s3 =	sshrl.u32 s23, $0x4;
	[dreg:$0x4] =	wrdreg s14  }
0x14: {  	s7 =	smax.u32 s7, $0x1;
	s22 =	simm.s32 $0x40;
	[dreg:$0x7] =	wrdreg s21  }
0x15: {  	s23 =	simm.s32 $0x80;
	s19 =	sadd.s32 s4, s11;
	[dreg:$0xa] =	wrdreg s7  }
0x16: {  	s24 =	sadd.s32 s0, s11;
	s0 =	sadd.s32 s6, s0;
	[dreg:$0x6] =	wrdreg s19  }
0x17: {  	s25 =	sxor.u32 $0x1, s3;
	s21 =	simm.s32 $0x6400;
	[dreg:$0x8] =	wrdreg s24  }
0x18: {  	s0 =	sadd.s32 $0x18380, s0;
	s19 =	sadd.s32 $0xC8000, s9;
	p1 =	slt.u32 s3, s25  }
0x19: {  	s24 =	simm.s32 $0x64C8;
	[dreg:$0x9] =	wrdreg s0;
	s0 =	sshrl.u32 s26, $0x3  }
0x1a: {  	v0 =	vimm.f32 $0.0e+00;
	s25 =	simm.s32 $0x3200;
	s26 =	simm.s32 $0x1;
	s8 =	sadd.s32 s0, s4  }
.LBB2_1:
0x1b: {  	s3 =	simm.s32 $0x100;
	s0 =	simm.s32 $0x0  }
.LBB2_2:
0x1c: {  	p4 =	sne.s32 s3, $0xC700;
	[tilespmem:s0+$0x30] =	vst v0;
	s6 =	smov.u32 s3;
	s3 =	sadd.s32 $0x100, s3  }
.Ltmp0:
0x1d: {  	[tilespmem:s0+$0x20] =	vst v0;
	(pc) =	sbr.rel @p4 .LBB2_2-.Ltmp0, $3  }
0x1e: {  	[tilespmem:s0+$0x0] =	vst v0  }
0x1f: {  	[tilespmem:s0+$0x10] =	vst v0;
	_ =	sdelay $0x1  }
0x20: {  	s0 =	sshra.s32 s6, $0x2  }
0x21: {  	[tilespmem:s0+$0x30] =	vst v0  }
0x22: {  	[tilespmem:s0+$0x20] =	vst v0  }
0x23: {  	[tilespmem:s0+$0x0] =	vst v0  }
0x24: {  	[tilespmem:s0+$0x10] =	vst v0  }
0x25: {  	[spmem:s10] =	stream.linear.scatter [tilespmem:s2], [sflag:$0x3], $0x3200, $0x38;
	[tilespmem:$0xC738] =	vst v63  }
0x26: {  	s0 =	simm.s32 @p0 $0x0  }
0x27: {  	[spmem:s5] =	stream.linear.scatter @p0 [tilespmem:s0], [sflag:$0x3], $0xC80, $0x38;
	[tilespmem:$0xC738] =	vst v63  }
0x28: {  	s0 =	simm.s32 @!p0 $0x0  }
0x29: {  	[spmem:s12] =	stream.linear.scatter @!p0 [tilespmem:s0], [sflag:$0x3], $0x3200, $0x38;
	[tilespmem:$0xC738] =	vst v63  }
0x2a: {  	_ =	swait.ge [sflag:s20], $0x3200  }
0x2b: {  	[sflag:s20] =	ssyncset.done $0x0  }
0x2c: {  	s0 =	simm.s32 @p0 $0x3;
	[sflag:s20] =	ssyncadd.s32 $0xFFFFCE00  }
0x2d: {  	_ =	swait.ge @p0 [sflag:s0], $0xC80  }
0x2e: {  	[sflag:s0] =	ssyncset.done @p0 $0x0  }
0x2f: {  	[sflag:s0] =	ssyncadd.s32 @p0 $0xFFFFF380;
	s0 =	simm.s32 @!p0 $0x3  }
0x30: {  	_ =	swait.ge @!p0 [sflag:s0], $0x3200  }
0x31: {  	[sflag:s0] =	ssyncset.done @!p0 $0x0  }
0x32: {  	s6 =	simm.s32 $0x0;
	[sflag:s0] =	ssyncadd.s32 @!p0 $0xFFFFCE00  }
0x33: {  	[tilespmem:s21], [sflag:$0x1] =	stream.linear.gather [hbm4b:s15+s6], $0xC8, $0x38;
	[tilespmem:$0xC738] =	vst v63  }
0x34: {  	s3 =	rddreg [dreg:$0x4]  }
0x35: {  	[tilespmem:s6], [sflag:$0x1] =	stream.strided.gather [hbm4b:s3+s22], $0x3200, s23, s22, $0x38;
	[tilespmem:$0xC738] =	vst v63  }
0x36: {  	s7 =	rddreg [dreg:$0x5]  }
0x37: {  	[tilespmem:s24], [sflag:$0x2] =	stream.linear.gather [hbm4b:s7+s6], $0xC8, $0x38;
	[tilespmem:$0xC738] =	vst v63  }
0x38: {  	s9 =	rddreg [dreg:$0x6]  }
0x39: {  	[tilespmem:s25], [sflag:$0x2] =	stream.strided.gather [hbm4b:s9+s22], $0x3200, s23, s22, $0x38;
	[tilespmem:$0xC738] =	vst v63  }
0x3a: {  	[bflag:$0x0] =	sbarrier.arrive $0xFFFF  }
0x3b: {  	_ =	swait.ge [sflag:s26], $0xC8  }
0x3c: {  	[sflag:s26] =	ssyncset.done $0x0  }
0x3d: {  	[sflag:s26] =	ssyncadd.s32 $0xFFFFFF38  }
0x3e: {  	_ =	swait.ge [sflag:s26], $0x3200  }
0x3f: {  	[sflag:s26] =	ssyncset.done $0x0  }
0x40: {  	[sflag:s26] =	ssyncadd.s32 $0xFFFFCE00  }
0x41: {  	[spmem:s1] =	stream.indirect.scatter.add.f32 [tilespmem:s2], [sflag:$0x4], $0x40, s21, s28, $0xb8;
	[tilespmem:$0xC738] =	vst v63  }
0x42: {  	_ =	swait.ge [sflag:s29], $0x3200  }
0x43: {  	[sflag:s29] =	ssyncset.done $0x0  }
0x44: {  	s11 =	sadd.s32 $0xFFFFFE70, s16;
	s13 =	sshrl.u32 s19, $0x3;
	[sflag:s29] =	ssyncadd.s32 $0xFFFFCE00  }
0x45: {  	[tilespmem:s21], [sflag:$0x1] =	stream.linear.gather [hbm4b:s11+s2], $0xC8, $0x38;
	[tilespmem:$0xC738] =	vst v63  }
0x46: {  	s14 =	sadd.s32 s4, s13  }
0x47: {  	[tilespmem:s2], [sflag:$0x1] =	stream.strided.gather [hbm4b:s14+s22], $0x3200, s23, s22, $0x38;
	[tilespmem:$0xC738] =	vst v63  }
0x48: {  	_ =	swait.ge [sflag:s30], $0xC8  }
0x49: {  	[sflag:s30] =	ssyncset.done $0x0  }
0x4a: {  	[sflag:s30] =	ssyncadd.s32 $0xFFFFFF38  }
0x4b: {  	_ =	swait.ge [sflag:s30], $0x3200  }
0x4c: {  	s17 =	sadd.s32 $0x0, s18;
	[sflag:s30] =	ssyncset.done $0x0  }
0x4d: {  	p5 =	sgt.u32 s17, $0x7C;
	s17 =	smov.u32 s8;
	[sflag:s30] =	ssyncadd.s32 $0xFFFFCE00  }
0x4e: {  	[spmem:s1] =	stream.indirect.scatter.add.f32 [tilespmem:s25], [sflag:$0x4], $0x40, s24, s28, $0xb8;
	[tilespmem:$0xC738] =	vst v63  }
0x4f: {  	s13 =	simm.s32 @!p5 $0x3200;
	s0 =	simm.s32 $0x20;
	_ =	swait.ge [sflag:s29], $0x3200  }
0x50: {  	s3 =	simm.s32 @!p5 $0x0;
	s6 =	simm.s32 @!p5 $0x64C8;
	[sflag:s29] =	ssyncset.done $0x0  }
0x51: {  	s7 =	sadd.s32 $0xC8000, s19;
	s9 =	simm.s32 @!p5 $0x40;
	[sflag:s29] =	ssyncadd.s32 $0xFFFFCE00  }
0x52: {  	[tilespmem:s6], [sflag:$0x2] =	stream.linear.gather @!p5 [hbm4b:s16+s3], $0xC8, $0x38;
	[tilespmem:$0xC738] =	vst v63  }
0x53: {  	s11 =	simm.s32 @!p5 $0x80;
	s3 =	sadd.s32 $0x19000, s8;
	s6 =	sadd.s32 $0x320, s16  }
.LBB2_4:
0x54: {  	[tilespmem:s13], [sflag:$0x2] =	stream.strided.gather @!p5 [hbm4b:s17+s9], $0x3200, s11, s9, $0x38;
	[tilespmem:$0xC738] =	vst v63  }
0x55: {  	s9 =	smov.u32 s0;
	s0 =	sadd.s32 $0x20, s0;
	_ =	swait.ge [sflag:s26], $0xC8  }
0x56: {  	s17 =	smov.u32 s3;
	p4 =	sne.s32 s0, $0x60;
	[sflag:s26] =	ssyncset.done $0x0  }
0x57: {  	s11 =	smov.u32 s6;
	[sflag:s26] =	ssyncadd.s32 $0xFFFFFF38  }
0x58: {  	_ =	swait.ge [sflag:s26], $0x3200  }
0x59: {  	[sflag:s26] =	ssyncset.done $0x0  }
0x5a: {  	[sflag:s26] =	ssyncadd.s32 $0xFFFFCE00  }
0x5b: {  	[spmem:s1] =	stream.indirect.scatter.add.f32 [tilespmem:s2], [sflag:$0x4], $0x40, s21, s28, $0xb8;
	[tilespmem:$0xC738] =	vst v63  }
0x5c: {  	_ =	swait.ge [sflag:s29], $0x3200  }
0x5d: {  	[sflag:s29] =	ssyncset.done $0x0  }
0x5e: {  	s13 =	sadd.s32 $0xFFFFFE70, s6;
	s14 =	sshrl.u32 s7, $0x3;
	[sflag:s29] =	ssyncadd.s32 $0xFFFFCE00  }
0x5f: {  	[tilespmem:s21], [sflag:$0x1] =	stream.linear.gather [hbm4b:s13+s2], $0xC8, $0x38;
	[tilespmem:$0xC738] =	vst v63  }
0x60: {  	s13 =	sadd.s32 s4, s14  }
0x61: {  	[tilespmem:s2], [sflag:$0x1] =	stream.strided.gather [hbm4b:s13+s22], $0x3200, s23, s22, $0x38;
	[tilespmem:$0xC738] =	vst v63  }
0x62: {  	_ =	swait.ge [sflag:s30], $0xC8  }
0x63: {  	[sflag:s30] =	ssyncset.done $0x0  }
0x64: {  	[sflag:s30] =	ssyncadd.s32 $0xFFFFFF38  }
0x65: {  	_ =	swait.ge [sflag:s30], $0x3200  }
0x66: {  	[sflag:s30] =	ssyncset.done $0x0  }
0x67: {  	s3 =	sadd.s32 $0x19000, s3;
	s7 =	sadd.s32 $0xC8000, s7;
	[sflag:s30] =	ssyncadd.s32 $0xFFFFCE00  }
0x68: {  	[spmem:s1] =	stream.indirect.scatter.add.f32 [tilespmem:s25], [sflag:$0x4], $0x40, s24, s28, $0xb8;
	[tilespmem:$0xC738] =	vst v63  }
.Ltmp1:
0x69: {  	s9 =	sadd.s32 s9, s18;
	_ =	swait.ge [sflag:s29], $0x3200;
	(pc) =	sbr.rel @p4 .LBB2_4-.Ltmp1, $4  }
0x6a: {  	s6 =	sadd.s32 $0x320, s6;
	p5 =	sgt.u32 s9, $0x7C;
	[sflag:s29] =	ssyncset.done $0x0  }
0x6b: {  	s9 =	simm.s32 @!p5 $0x0;
	s13 =	simm.s32 @!p5 $0x64C8;
	[sflag:s29] =	ssyncadd.s32 $0xFFFFCE00  }
0x6c: {  	[tilespmem:s13], [sflag:$0x2] =	stream.linear.gather @!p5 [hbm4b:s11+s9], $0xC8, $0x38;
	[tilespmem:$0xC738] =	vst v63  }
0x6d: {  	s9 =	simm.s32 @!p5 $0x40;
	s11 =	simm.s32 @!p5 $0x80;
	s13 =	simm.s32 @!p5 $0x3200  }
0x6e: {  	[tilespmem:s13], [sflag:$0x2] =	stream.strided.gather @!p5 [hbm4b:s17+s9], $0x3200, s11, s9, $0x38;
	[tilespmem:$0xC738] =	vst v63  }
0x6f: {  	_ =	swait.ge [sflag:s26], $0xC8  }
0x70: {  	[sflag:s26] =	ssyncset.done $0x0  }
0x71: {  	[sflag:s26] =	ssyncadd.s32 $0xFFFFFF38  }
0x72: {  	_ =	swait.ge [sflag:s26], $0x3200  }
0x73: {  	[sflag:s26] =	ssyncset.done $0x0  }
0x74: {  	[sflag:s26] =	ssyncadd.s32 $0xFFFFCE00  }
0x75: {  	[spmem:s1] =	stream.indirect.scatter.add.f32 [tilespmem:s2], [sflag:$0x4], $0x40, s21, s28, $0xb8;
	[tilespmem:$0xC738] =	vst v63  }
0x76: {  	_ =	swait.ge [sflag:s29], $0x3200  }
0x77: {  	[sflag:s29] =	ssyncset.done $0x0  }
0x78: {  	s0 =	simm.s32 @!p2 $0x2;
	[sflag:s29] =	ssyncadd.s32 $0xFFFFCE00  }
0x79: {  	_ =	swait.ge @!p2 [sflag:s0], $0xC8  }
0x7a: {  	[sflag:s0] =	ssyncset.done @!p2 $0x0  }
0x7b: {  	[sflag:s0] =	ssyncadd.s32 @!p2 $0xFFFFFF38  }
0x7c: {  	_ =	swait.ge @!p2 [sflag:s0], $0x3200  }
0x7d: {  	s3 =	simm.s32 @!p2 $0x64C8;
	[sflag:s0] =	ssyncset.done @!p2 $0x0  }
0x7e: {  	s6 =	simm.s32 @!p2 $0x3200;
	[sflag:s0] =	ssyncadd.s32 @!p2 $0xFFFFCE00;
	s0 =	simm.s32 @!p2 $0xC8  }
0x7f: {  	[spmem:s1] =	stream.indirect.scatter.add.f32 @!p2 [tilespmem:s6], [sflag:$0x4], $0x40, s3, s0, $0xb8;
	[tilespmem:$0xC738] =	vst v63  }
0x80: {  	s0 =	simm.s32 @!p2 $0x4  }
0x81: {  	_ =	swait.ge @!p2 [sflag:s0], $0x3200  }
0x82: {  	[sflag:s0] =	ssyncset.done @!p2 $0x0  }
0x83: {  	[sflag:s0] =	ssyncadd.s32 @!p2 $0xFFFFCE00  }
0x84: {  	[bflag:$0x0] =	sbarrier.arrive $0xFFFF  }
0x85: {  	[tilespmem:s2], [sflag:$0x4] =	stream.linear.gather [spmem:s10], $0x3200, $0x38;
	[tilespmem:$0xC738] =	vst v63  }
0x86: {  	_ =	swait.ge [sflag:s29], $0x3200  }
0x87: {  	[sflag:s29] =	ssyncset.done $0x0  }
0x88: {  	s14 =	rddreg [dreg:$0x7];
	[sflag:s29] =	ssyncadd.s32 $0xFFFFCE00  }
0x89: {  	[hbm4b:s14+s22] =	stream.strided.scatter [tilespmem:s2], [sflag:$0x1], $0x3200, s23, s22, $0x38;
	[tilespmem:$0xC738] =	vst v63  }
0x8a: {  	s3 =	simm.s32 @!p0 $0x4;
	s0 =	simm.s32 @!p0 $0x3200  }
0x8b: {  	[tilespmem:s0], [sflag:$0x4] =	stream.linear.gather @!p0 [spmem:s12], $0x3200, $0x38;
	[tilespmem:$0xC738] =	vst v63  }
0x8c: {  	_ =	swait.ge @!p0 [sflag:s3], $0x3200  }
0x8d: {  	s6 =	simm.s32 @!p0 $0x80;
	[sflag:s3] =	ssyncset.done @!p0 $0x0  }
0x8e: {  	s7 =	rddreg [dreg:$0x8];
	[sflag:s3] =	ssyncadd.s32 @!p0 $0xFFFFCE00;
	s3 =	simm.s32 @!p0 $0x40  }
0x8f: {  	[hbm4b:s7+s3] =	stream.strided.scatter @!p0 [tilespmem:s0], [sflag:$0x2], $0x3200, s6, s3, $0x38;
	[tilespmem:$0xC738] =	vst v63  }
0x90: {  	_ =	swait.ge [sflag:s26], $0x3200  }
0x91: {  	[sflag:s26] =	ssyncset.done $0x0  }
0x92: {  	s0 =	simm.s32 @!p1 $0x2;
	[sflag:s26] =	ssyncadd.s32 $0xFFFFCE00  }
0x93: {  	_ =	swait.ge @!p1 [sflag:s0], $0x3200  }
0x94: {  	[sflag:s0] =	ssyncset.done @!p1 $0x0  }
0x95: {  	s3 =	simm.s32 @!p3 $0x4;
	[sflag:s0] =	ssyncadd.s32 @!p1 $0xFFFFCE00;
	s0 =	simm.s32 @!p3 $0x0  }
0x96: {  	[tilespmem:s0], [sflag:$0x4] =	stream.linear.gather @!p3 [spmem:s5], $0xC80, $0x38;
	[tilespmem:$0xC738] =	vst v63  }
0x97: {  	_ =	swait.ge @!p3 [sflag:s3], $0xC80  }
0x98: {  	s6 =	simm.s32 @!p3 $0x40;
	[sflag:s3] =	ssyncset.done @!p3 $0x0  }
0x99: {  	s7 =	simm.s32 @!p3 $0x80;
	s9 =	rddreg [dreg:$0x9];
	[sflag:s3] =	ssyncadd.s32 @!p3 $0xFFFFF380  }
0x9a: {  	[hbm4b:s9+s6] =	stream.strided.scatter @!p3 [tilespmem:s0], [sflag:$0x4], $0xC80, s7, s6, $0x38;
	[tilespmem:$0xC738] =	vst v63  }
0x9b: {  	_ =	swait.ge @!p3 [sflag:s3], $0xC80  }
0x9c: {  	s31 =	sadd.s32 $0x1, s31;
	s17 =	rddreg [dreg:$0xa]  }
0x9d: {  	p4 =	sne.s32 s31, s17  }
.Ltmp2:
0x9e: {  	_ = 	snop;
	(pc) =	sbr.rel @p4 .LBB2_1-.Ltmp2, $3  }
0x9f: {  	_ =	sdelay $0x1  }
0xa0: {  	[sflag:s3] =	ssyncset.done @!p3 $0x0  }
0xa1: {  	[sflag:s3] =	ssyncadd.s32 @!p3 $0xFFFFF380  }
0xa2: {  	_ =	sfence.sel $0x180000  }
0xa3: {  	[bflag:$0x0] =	sbarrier.arrive $0xFFFF  }
0xa4: {  	_ =	strace $0x9000004A  }
0xa5: {  	s0 =	stileid.u32;
	[bflag:$0x2] =	sbarrier.arrive $0xFFFF  }
0xa6: {  	p0 =	sne.s32 s0, $0x0;
	s0 =	rddreg [dreg:$0x3]  }
0xa7: {  	s0 =	sadd.s32 @!p0 $0x100000, s0  }
0xa8: {  	[sflag:s0] =	ssyncadd.tile.s32 @!p0 $0x1;
	_ =	shalt  }
.Lfunc_end2:
_tile_overlayer_lowered:
.L_overlay_start_2:
0xa9: {  	(tag) =	ssettag $0x2  }
0xaa: {  	s0 =	rddreg [dreg:$0x0];
	s2 =	stileid.u32  }
0xab: {  	s1 =	rddreg [dreg:$0x1];
	p0 =	sne.s32 s2, $0x0  }
0xac: {  	s3 =	rddreg [dreg:$0x2];
	[bflag:$0x3] =	sbarrier.arrive $0xFFFF;
	s2 =	simm.s32 @!p0 $0x1C04  }
0xad: {  	[timem:s3], [sflag:s2] =	dma.local @!p0 [hbm:s0], s1  }
0xae: {  	s0 =	simm.s32 @!p0 $0x4  }
0xaf: {  	_ =	swait.ge @!p0 [sflag:s0], s1  }
0xb0: {  	s1 =	ssub.s32 @!p0 $0x0, s1;
	[sflag:s0] =	ssyncset.done @!p0 $0x0  }
0xb1: {  	[sflag:s0] =	ssyncadd.s32 @!p0 s1  }
0xb2: {  	[bflag:$0x3] =	sbarrier.arrive $0xFFFF  }
0xb3: {  	_ =	shalt  }

</sc_bundles>
